<compile_context>
chip_gen: v7x
topology: tpu7x:2x2x1
jax: 0.10.2.dev20260603
libtpu: 0.0.44.dev20260713+nightly
codegen_flags: <defaults>
</compile_context>

<pallas_src>
import functools

import jax
import jax.numpy as jnp
import numpy as np
from jax import lax
from jax.experimental import pallas as pl
from jax.experimental.pallas import tpu as pltpu
from jax.experimental.pallas import tpu_sc as plsc

NC = 2
NS = 16
L = 16
NW = NC * NS

W = 256
B = 16384
SC_FRAC = 0.375


@functools.lru_cache(maxsize=None)
def _build_sc(T, N, A):
    C = A // NW
    NSLAB = C // W

    mesh = plsc.VectorSubcoreMesh(core_axis_name="c", subcore_axis_name="s")

    @functools.partial(
        pl.kernel,
        out_type=jax.ShapeDtypeStruct((A,), jnp.float32),
        mesh=mesh,
        compiler_params=pltpu.CompilerParams(needs_layout_passes=False),
        scratch_types=[
            pltpu.VMEM((C,), jnp.int32),
            pltpu.VMEM((C,), jnp.float32),
            pltpu.VMEM((C,), jnp.float32),
            pltpu.VMEM((2, T, W), jnp.float32),
            pltpu.VMEM((L,), jnp.int32),
            pltpu.SemaphoreType.DMA,
            pltpu.SemaphoreType.DMA,
        ],
    )
    def sc_kernel(buf_hbm, spikes_hbm, delays_hbm, ptr_hbm, out_hbm,
                  d_v, s_v, o_v, slab_v, p_v, sem0, sem1):
        wid = lax.axis_index("s") * NC + lax.axis_index("c")
        base = wid * C
        pltpu.sync_copy(delays_hbm.at[pl.ds(base, C)], d_v)
        pltpu.sync_copy(spikes_hbm.at[pl.ds(base, C)], s_v)
        pltpu.sync_copy(ptr_hbm, p_v)
        pvec = p_v[...]
        iot = lax.iota(jnp.int32, L)

        def fire(b, p, sem):
            pltpu.async_copy(
                buf_hbm.at[:, pl.ds(base + b * W, W)],
                slab_v.at[p], sem)

        def drain(p, sem):
            pltpu.make_async_copy(
                buf_hbm.at[:, pl.ds(base, W)], slab_v.at[p], sem).wait()

        def extract(b, p):
            slab = slab_v.at[p]
            for j in range(W // L):
                off = b * W + j * L
                d = d_v[pl.ds(off, L)]
                r = (pvec + T - d) & (T - 1)
                g = plsc.load_gather(slab, [r, j * L + iot])
                o_v[pl.ds(off, L)] = jnp.where(d == 0, s_v[pl.ds(off, L)], g)

        fire(0, 0, sem0)

        def body(k, _):
            b0 = 2 * k
            b1 = b0 + 1
            fire(b1, 1, sem1)
            drain(0, sem0)
            extract(b0, 0)

            @pl.when(b1 + 1 < NSLAB)
            def _():
                fire(b1 + 1, 0, sem0)

            drain(1, sem1)
            extract(b1, 1)
            return 0

        lax.fori_loop(0, NSLAB // 2, body, 0)
        pltpu.sync_copy(o_v, out_hbm.at[pl.ds(base, C)])

    return sc_kernel


@functools.lru_cache(maxsize=None)
def _build_tc(T, N, A):
    M = N - A
    g0 = A // B

    def tc_body(p2_ref, buf_ref, d_ref, s_ref, ptr_ref, o_ref):
        ptr = ptr_ref[0]
        d = d_ref[...]
        rr = (ptr + T - d) & (T - 1)
        packed = lax.dot_general(
            p2_ref[...], buf_ref[...].astype(jnp.bfloat16),
            (((1,), (0,)), ((), ())),
            preferred_element_type=jnp.float32)
        gi = rr >> 4
        m = lax.broadcasted_iota(jnp.int32, (8, B), 0) == gi
        val = jnp.sum(jnp.where(m, packed, 0.0), axis=0, keepdims=True)
        bit = (val.astype(jnp.int32) >> (rr & 15)) & 1
        o_ref[...] = jnp.where(d == 0, s_ref[...], bit.astype(jnp.float32))

    return pl.pallas_call(
        tc_body,
        grid=(M // B,),
        in_specs=[
            pl.BlockSpec((8, T), lambda g: (0, 0)),
            pl.BlockSpec((T, B), lambda g: (0, g0 + g)),
            pl.BlockSpec((1, B), lambda g: (0, g0 + g)),
            pl.BlockSpec((1, B), lambda g: (0, g0 + g)),
            pl.BlockSpec(memory_space=pltpu.SMEM),
        ],
        out_specs=pl.BlockSpec((1, B), lambda g: (0, g)),
        out_shape=jax.ShapeDtypeStruct((1, M), jnp.float32),
        compiler_params=pltpu.CompilerParams(
            dimension_semantics=("arbitrary",)),
    )


def _pack_matrix(T):
    t = np.arange(T)
    P = np.zeros((8, T), np.float32)
    P[t >> 4, t] = 2.0 ** (t & 15)
    return jnp.asarray(P, dtype=jnp.bfloat16)


def kernel(buffer, spikes, delays, ptr):
    T, N = buffer.shape
    A = int(N * SC_FRAC)
    A -= A % (NW * W)
    d32 = delays.astype(jnp.int32)
    s32 = spikes.astype(jnp.float32)
    ptr_s = jnp.reshape(jnp.asarray(ptr, jnp.int32), (1,))
    parts = []
    if A > 0:
        ptr_v = jnp.full((L,), ptr, dtype=jnp.int32)
        parts.append(_build_sc(T, N, A)(buffer, s32, d32, ptr_v))
    if A < N:
        out_tc = _build_tc(T, N, A)(
            _pack_matrix(T), buffer, d32.reshape(1, N), s32.reshape(1, N),
            ptr_s)
        parts.append(out_tc.reshape(N - A))
    return parts[0] if len(parts) == 1 else jnp.concatenate(parts)

# --- scband reference (transcript-rebuilt; emitter-appended) ---
"""Pipeline reference for scband-axonal-tract-27960237097633 (READ-ONLY COPY).

The authoritative reference and input builder live on the scoring server;
editing this copy changes nothing except your own understanding.
"""

import jax, jax.numpy as jnp
import numpy as np

T = 128        # ring buffer depth (max delay steps + 1)
N = 262144     # tract size (number of source neurons)


def setup_inputs(seed: int = 0) -> dict:
    key = jax.random.key(seed)
    k1, k2, k3 = jax.random.split(key, 3)
    # spikes are boolean in the original module; use {0,1} float32 so the
    # same tensors work for the differentiable reference
    spikes = (jax.random.uniform(k1, (N,)) < 0.05).astype(jnp.float32)
    buffer = (jax.random.uniform(k2, (T, N)) < 0.05).astype(jnp.float32)
    # heterogeneous per-neuron delays (delay_std_ms > 0 branch):
    # delays_steps = clamp(randn*std + mean, mean*0.5, mean*3).long()
    # here materialized as integer delays in [0, T)
    delays = jax.random.randint(k3, (N,), 0, T)
    ptr = 0  # current write pointer of the circular buffer
    return {"buffer": buffer, "spikes": spikes, "delays": delays, "ptr": ptr}


def reference(buffer, spikes, delays, ptr):
    # --- write_and_advance ---
    # HeterogeneousDelayBuffer.write: scatter-overwrite the current spike
    # vector into the ring buffer row at the write pointer
    buf = buffer.at[ptr].set(spikes)
    # advance the circular pointer
    new_ptr = (ptr + 1) % T
    # --- read_delayed_outputs ---
    # read_heterogeneous: each neuron i reads the slot written delays[i]
    # steps ago: row (new_ptr - 1 - delays[i]) mod T ... expressed relative
    # to the advanced pointer; per-neuron gather along the time axis
    read_rows = jnp.mod(new_ptr - 1 - delays, T)
    delayed_spikes = buf[read_rows, jnp.arange(N)]
    # read_delayed_outputs returns {synapse_id: delayed_spikes}; we return
    # the single tensor payload
    return delayed_spikes

if __name__ == "__main__":
    import jax
    _d = setup_inputs()
    print(jax.jit(kernel)(*tuple(_d.values())))

</pallas_src>

<mosaic_0001>
#map = affine_map<(d0, d1) -> (0, 0)>
#map1 = affine_map<(d0, d1) -> (0)>
module attributes {stable_mosaic.version = 14 : i64} {
  func.func @sc_kernel(%arg0: i32, %arg1: i32, %arg2: memref<128x262144xf32, #tpu.memory_space<hbm>>, %arg3: memref<262144xf32, #tpu.memory_space<hbm>>, %arg4: memref<262144xi32, #tpu.memory_space<hbm>>, %arg5: memref<16xi32, #tpu.memory_space<hbm>>, %arg6: memref<98304xf32, #tpu.memory_space<hbm>>, %arg7: memref<3072xi32, #tpu.memory_space<vmem>>, %arg8: memref<3072xf32, #tpu.memory_space<vmem>>, %arg9: memref<3072xf32, #tpu.memory_space<vmem>>, %arg10: memref<2x128x256xf32, #tpu.memory_space<vmem>>, %arg11: memref<16xi32, #tpu.memory_space<vmem>>, %arg12: memref<!tpu.dma_semaphore, #tpu.memory_space<semaphore_mem>>, %arg13: memref<!tpu.dma_semaphore, #tpu.memory_space<semaphore_mem>>) attributes {dimension_semantics = [#tpu.dimension_semantics<core_parallel>, #tpu.dimension_semantics<subcore_parallel>], iteration_bounds = array<i64: 2, 16>, scalar_prefetch = 0 : i64, scratch_operands = 7 : i64, tpu.core_type = #tpu.core_type<sc_vector_subcore>, window_params = [{transform_indices = #map}, {transform_indices = #map1}, {transform_indices = #map1}, {transform_indices = #map1}, {transform_indices = #map1}]} {
    %mul3A = arith.constant 2 : i32
    %mul3A_0 = arith.muli %arg1, %mul3A : i32
    %add3A = arith.addi %mul3A_0, %arg0 : i32
    %mul3A_1 = arith.constant 3072 : i32
    %mul3A_2 = arith.muli %add3A, %mul3A_1 : i32
    "tpu.region"() ({
      %run_scoped3A = tpu.sem_alloc : memref<!tpu.dma_semaphore, #tpu.memory_space<semaphore_mem>>
      %dma_start3A_24 = tpu.memref_slice %arg4[%mul3A_2] : memref<262144xi32, #tpu.memory_space<hbm>> -> memref<3072xi32, #tpu.memory_space<hbm>>
      %dma_start3A_25 = tpu.memref_slice %arg4[%mul3A_2] : memref<262144xi32, #tpu.memory_space<hbm>> -> memref<3072xi32, #tpu.memory_space<hbm>>
      tpu.enqueue_dma source(%dma_start3A_25 : memref<3072xi32, #tpu.memory_space<hbm>>) target(%arg7 : memref<3072xi32, #tpu.memory_space<vmem>>) target_semaphore(%run_scoped3A : memref<!tpu.dma_semaphore, #tpu.memory_space<semaphore_mem>>)
      %dma_wait3A = tpu.memref_slice %arg4[%mul3A_2] : memref<262144xi32, #tpu.memory_space<hbm>> -> memref<3072xi32, #tpu.memory_space<hbm>>
      %dma_wait3A_26 = tpu.memref_slice %arg4[%mul3A_2] : memref<262144xi32, #tpu.memory_space<hbm>> -> memref<3072xi32, #tpu.memory_space<hbm>>
      tpu.wait_dma2 semaphore(%run_scoped3A : memref<!tpu.dma_semaphore, #tpu.memory_space<semaphore_mem>>) src(%dma_wait3A_26 : memref<3072xi32, #tpu.memory_space<hbm>>) dst(%arg7 : memref<3072xi32, #tpu.memory_space<vmem>>)
      tpu.yield
    }) : () -> ()
    "tpu.region"() ({
      %run_scoped3A = tpu.sem_alloc : memref<!tpu.dma_semaphore, #tpu.memory_space<semaphore_mem>>
      %dma_start3A_24 = tpu.memref_slice %arg3[%mul3A_2] : memref<262144xf32, #tpu.memory_space<hbm>> -> memref<3072xf32, #tpu.memory_space<hbm>>
      %dma_start3A_25 = tpu.memref_slice %arg3[%mul3A_2] : memref<262144xf32, #tpu.memory_space<hbm>> -> memref<3072xf32, #tpu.memory_space<hbm>>
      tpu.enqueue_dma source(%dma_start3A_25 : memref<3072xf32, #tpu.memory_space<hbm>>) target(%arg8 : memref<3072xf32, #tpu.memory_space<vmem>>) target_semaphore(%run_scoped3A : memref<!tpu.dma_semaphore, #tpu.memory_space<semaphore_mem>>)
      %dma_wait3A = tpu.memref_slice %arg3[%mul3A_2] : memref<262144xf32, #tpu.memory_space<hbm>> -> memref<3072xf32, #tpu.memory_space<hbm>>
      %dma_wait3A_26 = tpu.memref_slice %arg3[%mul3A_2] : memref<262144xf32, #tpu.memory_space<hbm>> -> memref<3072xf32, #tpu.memory_space<hbm>>
      tpu.wait_dma2 semaphore(%run_scoped3A : memref<!tpu.dma_semaphore, #tpu.memory_space<semaphore_mem>>) src(%dma_wait3A_26 : memref<3072xf32, #tpu.memory_space<hbm>>) dst(%arg8 : memref<3072xf32, #tpu.memory_space<vmem>>)
      tpu.yield
    }) : () -> ()
    "tpu.region"() ({
      %run_scoped3A = tpu.sem_alloc : memref<!tpu.dma_semaphore, #tpu.memory_space<semaphore_mem>>
      tpu.enqueue_dma source(%arg5 : memref<16xi32, #tpu.memory_space<hbm>>) target(%arg11 : memref<16xi32, #tpu.memory_space<vmem>>) target_semaphore(%run_scoped3A : memref<!tpu.dma_semaphore, #tpu.memory_space<semaphore_mem>>)
      tpu.wait_dma2 semaphore(%run_scoped3A : memref<!tpu.dma_semaphore, #tpu.memory_space<semaphore_mem>>) src(%arg5 : memref<16xi32, #tpu.memory_space<hbm>>) dst(%arg11 : memref<16xi32, #tpu.memory_space<vmem>>)
      tpu.yield
    }) : () -> ()
    %get3A = arith.constant 0 : index
    %get3A_3 = tpu.vector_load %arg11[%get3A] {strides = array<i32>} : memref<16xi32, #tpu.memory_space<vmem>>, vector<16xi32>,
    %iota3A = tpu.iota {dimensions = array<i32: 0>} : vector<16xi32>
    %add3A_4 = arith.constant 0 : i32
    %add3A_5 = arith.addi %mul3A_2, %add3A_4 : i32
    %dma_start3A = arith.constant 0 : i32
    %dma_start3A_6 = arith.constant 0 : i32
    %dma_start3A_7 = arith.constant 0 : i32
    %dma_start3A_8 = tpu.memref_slice %arg10[%dma_start3A, %dma_start3A_6, %dma_start3A_7] : memref<2x128x256xf32, #tpu.memory_space<vmem>> -> memref<1x128x256xf32, #tpu.memory_space<vmem>>
    %dma_start3A_9 = tpu.memref_squeeze %dma_start3A_8 : memref<1x128x256xf32, #tpu.memory_space<vmem>> -> memref<128x256xf32, #tpu.memory_space<vmem>>
    %dma_start3A_10 = arith.constant 0 : i32
    %dma_start3A_11 = tpu.memref_slice %arg2[%dma_start3A_10, %add3A_5] : memref<128x262144xf32, #tpu.memory_space<hbm>> -> memref<128x256xf32, #tpu.memory_space<hbm>>
    %dma_start3A_12 = arith.constant 0 : i32
    %dma_start3A_13 = arith.constant 0 : i32
    %dma_start3A_14 = tpu.memref_slice %arg10[%dma_start3A, %dma_start3A_12, %dma_start3A_13] : memref<2x128x256xf32, #tpu.memory_space<vmem>> -> memref<1x128x256xf32, #tpu.memory_space<vmem>>
    %dma_start3A_15 = tpu.memref_squeeze %dma_start3A_14 : memref<1x128x256xf32, #tpu.memory_space<vmem>> -> memref<128x256xf32, #tpu.memory_space<vmem>>
    %dma_start3A_16 = arith.constant 0 : i32
    %dma_start3A_17 = tpu.memref_slice %arg2[%dma_start3A_16, %add3A_5] : memref<128x262144xf32, #tpu.memory_space<hbm>> -> memref<128x256xf32, #tpu.memory_space<hbm>>
    tpu.enqueue_dma source(%dma_start3A_17 : memref<128x256xf32, #tpu.memory_space<hbm>>) target(%dma_start3A_15 : memref<128x256xf32, #tpu.memory_space<vmem>>) target_semaphore(%arg12 : memref<!tpu.dma_semaphore, #tpu.memory_space<semaphore_mem>>)
    %scan3A = arith.constant 0 : i32
    %scan3A_18 = arith.constant 0 : i32
    %scan3A_19 = arith.constant 6 : i32
    %scan3A_20 = arith.addi %scan3A_18, %scan3A_19 : i32
    %scan3A_21 = arith.constant 1 : i32
    %scan3A_22 = scf.for %scan3A_24 = %scan3A_18 to %scan3A_20 step %scan3A_21 iter_args(%scan3A_25 = %scan3A) -> (i32)  : i32 {
      %mul3A_26 = arith.constant 2 : i32
      %mul3A_27 = arith.muli %mul3A_26, %scan3A_24 : i32
      %add3A_28 = arith.constant 1 : i32
      %add3A_29 = arith.addi %mul3A_27, %add3A_28 : i32
      %mul3A_30 = arith.constant 256 : i32
      %mul3A_31 = arith.muli %add3A_29, %mul3A_30 : i32
      %add3A_32 = arith.addi %mul3A_2, %mul3A_31 : i32
      %dma_start3A_33 = arith.constant 1 : i32
      %dma_start3A_34 = arith.constant 0 : i32
      %dma_start3A_35 = arith.constant 0 : i32
      %dma_start3A_36 = tpu.memref_slice %arg10[%dma_start3A_33, %dma_start3A_34, %dma_start3A_35] : memref<2x128x256xf32, #tpu.memory_space<vmem>> -> memref<1x128x256xf32, #tpu.memory_space<vmem>>
      %dma_start3A_37 = tpu.memref_squeeze %dma_start3A_36 : memref<1x128x256xf32, #tpu.memory_space<vmem>> -> memref<128x256xf32, #tpu.memory_space<vmem>>
      %dma_start3A_38 = arith.constant 0 : i32
      %dma_start3A_39 = tpu.memref_slice %arg2[%dma_start3A_38, %add3A_32] : memref<128x262144xf32, #tpu.memory_space<hbm>> -> memref<128x256xf32, #tpu.memory_space<hbm>>
      %dma_start3A_40 = arith.constant 0 : i32
      %dma_start3A_41 = arith.constant 0 : i32
      %dma_start3A_42 = tpu.memref_slice %arg10[%dma_start3A_33, %dma_start3A_40, %dma_start3A_41] : memref<2x128x256xf32, #tpu.memory_space<vmem>> -> memref<1x128x256xf32, #tpu.memory_space<vmem>>
      %dma_start3A_43 = tpu.memref_squeeze %dma_start3A_42 : memref<1x128x256xf32, #tpu.memory_space<vmem>> -> memref<128x256xf32, #tpu.memory_space<vmem>>
      %dma_start3A_44 = arith.constant 0 : i32
      %dma_start3A_45 = tpu.memref_slice %arg2[%dma_start3A_44, %add3A_32] : memref<128x262144xf32, #tpu.memory_space<hbm>> -> memref<128x256xf32, #tpu.memory_space<hbm>>
      tpu.enqueue_dma source(%dma_start3A_45 : memref<128x256xf32, #tpu.memory_space<hbm>>) target(%dma_start3A_43 : memref<128x256xf32, #tpu.memory_space<vmem>>) target_semaphore(%arg13 : memref<!tpu.dma_semaphore, #tpu.memory_space<semaphore_mem>>)
      %dma_wait3A = arith.constant 0 : i32
      %dma_wait3A_46 = arith.constant 0 : i32
      %dma_wait3A_47 = arith.constant 0 : i32
      %dma_wait3A_48 = tpu.memref_slice %arg10[%dma_wait3A, %dma_wait3A_46, %dma_wait3A_47] : memref<2x128x256xf32, #tpu.memory_space<vmem>> -> memref<1x128x256xf32, #tpu.memory_space<vmem>>
      %dma_wait3A_49 = tpu.memref_squeeze %dma_wait3A_48 : memref<1x128x256xf32, #tpu.memory_space<vmem>> -> memref<128x256xf32, #tpu.memory_space<vmem>>
      %dma_wait3A_50 = arith.constant 0 : i32
      %dma_wait3A_51 = tpu.memref_slice %arg2[%dma_wait3A_50, %mul3A_2] : memref<128x262144xf32, #tpu.memory_space<hbm>> -> memref<128x256xf32, #tpu.memory_space<hbm>>
      %dma_wait3A_52 = arith.constant 0 : i32
      %dma_wait3A_53 = arith.constant 0 : i32
      %dma_wait3A_54 = tpu.memref_slice %arg10[%dma_wait3A, %dma_wait3A_52, %dma_wait3A_53] : memref<2x128x256xf32, #tpu.memory_space<vmem>> -> memref<1x128x256xf32, #tpu.memory_space<vmem>>
      %dma_wait3A_55 = tpu.memref_squeeze %dma_wait3A_54 : memref<1x128x256xf32, #tpu.memory_space<vmem>> -> memref<128x256xf32, #tpu.memory_space<vmem>>
      %dma_wait3A_56 = arith.constant 0 : i32
      %dma_wait3A_57 = tpu.memref_slice %arg2[%dma_wait3A_56, %mul3A_2] : memref<128x262144xf32, #tpu.memory_space<hbm>> -> memref<128x256xf32, #tpu.memory_space<hbm>>
      tpu.wait_dma2 semaphore(%arg12 : memref<!tpu.dma_semaphore, #tpu.memory_space<semaphore_mem>>) src(%dma_wait3A_57 : memref<128x256xf32, #tpu.memory_space<hbm>>) dst(%dma_wait3A_55 : memref<128x256xf32, #tpu.memory_space<vmem>>)
      %mul3A_58 = arith.constant 256 : i32
      %mul3A_59 = arith.muli %mul3A_27, %mul3A_58 : i32
      %add3A_60 = arith.constant 0 : i32
      %add3A_61 = arith.addi %mul3A_59, %add3A_60 : i32
      %get3A_62 = arith.index_cast %add3A_61 : i32 to index
      %get3A_63 = tpu.vector_load %arg7[%get3A_62] {strides = array<i32>} : memref<3072xi32, #tpu.memory_space<vmem>>, vector<16xi32>,
      %add3A_64 = arith.constant 128 : i32
      %add3A_65 = vector.broadcast %add3A_64 : i32 to vector<16xi32>
      %add3A_66 = arith.addi %get3A_3, %add3A_65 : vector<16xi32>
      %sub3A = arith.subi %add3A_66, %get3A_63 : vector<16xi32>
      %and3A = arith.constant 127 : i32
      %and3A_67 = vector.broadcast %and3A : i32 to vector<16xi32>
      %and3A_68 = arith.andi %sub3A, %and3A_67 : vector<16xi32>
      %add3A_69 = arith.constant 0 : i32
      %add3A_70 = vector.broadcast %add3A_69 : i32 to vector<16xi32>
      %add3A_71 = arith.addi %add3A_70, %iota3A : vector<16xi32>
      %gather3A = arith.constant 0 : i32
      %gather3A_72 = arith.constant 0 : i32
      %gather3A_73 = arith.constant 0 : i32
      %gather3A_74 = tpu.memref_slice %arg10[%gather3A, %gather3A_72, %gather3A_73] : memref<2x128x256xf32, #tpu.memory_space<vmem>> -> memref<1x128x256xf32, #tpu.memory_space<vmem>>
      %gather3A_75 = tpu.memref_squeeze %gather3A_74 : memref<1x128x256xf32, #tpu.memory_space<vmem>> -> memref<128x256xf32, #tpu.memory_space<vmem>>
      %gather3A_76 = tpu.vector_load_idx %gather3A_75[%and3A_68, %add3A_71] : memref<128x256xf32, #tpu.memory_space<vmem>>[vector<16xi32>, vector<16xi32>], vector<16xf32>,
      %eq3A = arith.constant 0 : i32
      %eq3A_77 = vector.broadcast %eq3A : i32 to vector<16xi32>
      %eq3A_78 = arith.cmpi eq, %get3A_63, %eq3A_77 : vector<16xi32>
      %get3A_79 = arith.index_cast %add3A_61 : i32 to index
      %get3A_80 = tpu.vector_load %arg8[%get3A_79] {strides = array<i32>} : memref<3072xf32, #tpu.memory_space<vmem>>, vector<16xf32>,
      %select_n3A = arith.select %eq3A_78, %get3A_80, %gather3A_76 : vector<16xi1>, vector<16xf32>
      %swap3A = arith.index_cast %add3A_61 : i32 to index
      %swap3A_81 = tpu.vector_load %arg9[%swap3A] {strides = array<i32>} : memref<3072xf32, #tpu.memory_space<vmem>>, vector<16xf32>,
      tpu.vector_store %arg9[%swap3A], %select_n3A {strides = array<i32>} : memref<3072xf32, #tpu.memory_space<vmem>>, vector<16xf32>,
      %mul3A_82 = arith.constant 256 : i32
      %mul3A_83 = arith.muli %mul3A_27, %mul3A_82 : i32
      %add3A_84 = arith.constant 16 : i32
      %add3A_85 = arith.addi %mul3A_83, %add3A_84 : i32
      %get3A_86 = arith.index_cast %add3A_85 : i32 to index
      %get3A_87 = tpu.vector_load %arg7[%get3A_86] {strides = array<i32>} : memref<3072xi32, #tpu.memory_space<vmem>>, vector<16xi32>,
      %add3A_88 = arith.constant 128 : i32
      %add3A_89 = vector.broadcast %add3A_88 : i32 to vector<16xi32>
      %add3A_90 = arith.addi %get3A_3, %add3A_89 : vector<16xi32>
      %sub3A_91 = arith.subi %add3A_90, %get3A_87 : vector<16xi32>
      %and3A_92 = arith.constant 127 : i32
      %and3A_93 = vector.broadcast %and3A_92 : i32 to vector<16xi32>
      %and3A_94 = arith.andi %sub3A_91, %and3A_93 : vector<16xi32>
      %add3A_95 = arith.constant 16 : i32
      %add3A_96 = vector.broadcast %add3A_95 : i32 to vector<16xi32>
      %add3A_97 = arith.addi %add3A_96, %iota3A : vector<16xi32>
      %gather3A_98 = arith.constant 0 : i32
      %gather3A_99 = arith.constant 0 : i32
      %gather3A_100 = arith.constant 0 : i32
      %gather3A_101 = tpu.memref_slice %arg10[%gather3A_98, %gather3A_99, %gather3A_100] : memref<2x128x256xf32, #tpu.memory_space<vmem>> -> memref<1x128x256xf32, #tpu.memory_space<vmem>>
      %gather3A_102 = tpu.memref_squeeze %gather3A_101 : memref<1x128x256xf32, #tpu.memory_space<vmem>> -> memref<128x256xf32, #tpu.memory_space<vmem>>
      %gather3A_103 = tpu.vector_load_idx %gather3A_102[%and3A_94, %add3A_97] : memref<128x256xf32, #tpu.memory_space<vmem>>[vector<16xi32>, vector<16xi32>], vector<16xf32>,
      %eq3A_104 = arith.constant 0 : i32
      %eq3A_105 = vector.broadcast %eq3A_104 : i32 to vector<16xi32>
      %eq3A_106 = arith.cmpi eq, %get3A_87, %eq3A_105 : vector<16xi32>
      %get3A_107 = arith.index_cast %add3A_85 : i32 to index
      %get3A_108 = tpu.vector_load %arg8[%get3A_107] {strides = array<i32>} : memref<3072xf32, #tpu.memory_space<vmem>>, vector<16xf32>,
      %select_n3A_109 = arith.select %eq3A_106, %get3A_108, %gather3A_103 : vector<16xi1>, vector<16xf32>
      %swap3A_110 = arith.index_cast %add3A_85 : i32 to index
      %swap3A_111 = tpu.vector_load %arg9[%swap3A_110] {strides = array<i32>} : memref<3072xf32, #tpu.memory_space<vmem>>, vector<16xf32>,
      tpu.vector_store %arg9[%swap3A_110], %select_n3A_109 {strides = array<i32>} : memref<3072xf32, #tpu.memory_space<vmem>>, vector<16xf32>,
      %mul3A_112 = arith.constant 256 : i32
      %mul3A_113 = arith.muli %mul3A_27, %mul3A_112 : i32
      %add3A_114 = arith.constant 32 : i32
      %add3A_115 = arith.addi %mul3A_113, %add3A_114 : i32
      %get3A_116 = arith.index_cast %add3A_115 : i32 to index
      %get3A_117 = tpu.vector_load %arg7[%get3A_116] {strides = array<i32>} : memref<3072xi32, #tpu.memory_space<vmem>>, vector<16xi32>,
      %add3A_118 = arith.constant 128 : i32
      %add3A_119 = vector.broadcast %add3A_118 : i32 to vector<16xi32>
      %add3A_120 = arith.addi %get3A_3, %add3A_119 : vector<16xi32>
      %sub3A_121 = arith.subi %add3A_120, %get3A_117 : vector<16xi32>
      %and3A_122 = arith.constant 127 : i32
      %and3A_123 = vector.broadcast %and3A_122 : i32 to vector<16xi32>
      %and3A_124 = arith.andi %sub3A_121, %and3A_123 : vector<16xi32>
      %add3A_125 = arith.constant 32 : i32
      %add3A_126 = vector.broadcast %add3A_125 : i32 to vector<16xi32>
      %add3A_127 = arith.addi %add3A_126, %iota3A : vector<16xi32>
      %gather3A_128 = arith.constant 0 : i32
      %gather3A_129 = arith.constant 0 : i32
      %gather3A_130 = arith.constant 0 : i32
      %gather3A_131 = tpu.memref_slice %arg10[%gather3A_128, %gather3A_129, %gather3A_130] : memref<2x128x256xf32, #tpu.memory_space<vmem>> -> memref<1x128x256xf32, #tpu.memory_space<vmem>>
      %gather3A_132 = tpu.memref_squeeze %gather3A_131 : memref<1x128x256xf32, #tpu.memory_space<vmem>> -> memref<128x256xf32, #tpu.memory_space<vmem>>
      %gather3A_133 = tpu.vector_load_idx %gather3A_132[%and3A_124, %add3A_127] : memref<128x256xf32, #tpu.memory_space<vmem>>[vector<16xi32>, vector<16xi32>], vector<16xf32>,
      %eq3A_134 = arith.constant 0 : i32
      %eq3A_135 = vector.broadcast %eq3A_134 : i32 to vector<16xi32>
      %eq3A_136 = arith.cmpi eq, %get3A_117, %eq3A_135 : vector<16xi32>
      %get3A_137 = arith.index_cast %add3A_115 : i32 to index
      %get3A_138 = tpu.vector_load %arg8[%get3A_137] {strides = array<i32>} : memref<3072xf32, #tpu.memory_space<vmem>>, vector<16xf32>,
      %select_n3A_139 = arith.select %eq3A_136, %get3A_138, %gather3A_133 : vector<16xi1>, vector<16xf32>
      %swap3A_140 = arith.index_cast %add3A_115 : i32 to index
      %swap3A_141 = tpu.vector_load %arg9[%swap3A_140] {strides = array<i32>} : memref<3072xf32, #tpu.memory_space<vmem>>, vector<16xf32>,
      tpu.vector_store %arg9[%swap3A_140], %select_n3A_139 {strides = array<i32>} : memref<3072xf32, #tpu.memory_space<vmem>>, vector<16xf32>,
      %mul3A_142 = arith.constant 256 : i32
      %mul3A_143 = arith.muli %mul3A_27, %mul3A_142 : i32
      %add3A_144 = arith.constant 48 : i32
      %add3A_145 = arith.addi %mul3A_143, %add3A_144 : i32
      %get3A_146 = arith.index_cast %add3A_145 : i32 to index
      %get3A_147 = tpu.vector_load %arg7[%get3A_146] {strides = array<i32>} : memref<3072xi32, #tpu.memory_space<vmem>>, vector<16xi32>,
      %add3A_148 = arith.constant 128 : i32
      %add3A_149 = vector.broadcast %add3A_148 : i32 to vector<16xi32>
      %add3A_150 = arith.addi %get3A_3, %add3A_149 : vector<16xi32>
      %sub3A_151 = arith.subi %add3A_150, %get3A_147 : vector<16xi32>
      %and3A_152 = arith.constant 127 : i32
      %and3A_153 = vector.broadcast %and3A_152 : i32 to vector<16xi32>
      %and3A_154 = arith.andi %sub3A_151, %and3A_153 : vector<16xi32>
      %add3A_155 = arith.constant 48 : i32
      %add3A_156 = vector.broadcast %add3A_155 : i32 to vector<16xi32>
      %add3A_157 = arith.addi %add3A_156, %iota3A : vector<16xi32>
      %gather3A_158 = arith.constant 0 : i32
      %gather3A_159 = arith.constant 0 : i32
      %gather3A_160 = arith.constant 0 : i32
      %gather3A_161 = tpu.memref_slice %arg10[%gather3A_158, %gather3A_159, %gather3A_160] : memref<2x128x256xf32, #tpu.memory_space<vmem>> -> memref<1x128x256xf32, #tpu.memory_space<vmem>>
      %gather3A_162 = tpu.memref_squeeze %gather3A_161 : memref<1x128x256xf32, #tpu.memory_space<vmem>> -> memref<128x256xf32, #tpu.memory_space<vmem>>
      %gather3A_163 = tpu.vector_load_idx %gather3A_162[%and3A_154, %add3A_157] : memref<128x256xf32, #tpu.memory_space<vmem>>[vector<16xi32>, vector<16xi32>], vector<16xf32>,
      %eq3A_164 = arith.constant 0 : i32
      %eq3A_165 = vector.broadcast %eq3A_164 : i32 to vector<16xi32>
      %eq3A_166 = arith.cmpi eq, %get3A_147, %eq3A_165 : vector<16xi32>
      %get3A_167 = arith.index_cast %add3A_145 : i32 to index
      %get3A_168 = tpu.vector_load %arg8[%get3A_167] {strides = array<i32>} : memref<3072xf32, #tpu.memory_space<vmem>>, vector<16xf32>,
      %select_n3A_169 = arith.select %eq3A_166, %get3A_168, %gather3A_163 : vector<16xi1>, vector<16xf32>
      %swap3A_170 = arith.index_cast %add3A_145 : i32 to index
      %swap3A_171 = tpu.vector_load %arg9[%swap3A_170] {strides = array<i32>} : memref<3072xf32, #tpu.memory_space<vmem>>, vector<16xf32>,
      tpu.vector_store %arg9[%swap3A_170], %select_n3A_169 {strides = array<i32>} : memref<3072xf32, #tpu.memory_space<vmem>>, vector<16xf32>,
      %mul3A_172 = arith.constant 256 : i32
      %mul3A_173 = arith.muli %mul3A_27, %mul3A_172 : i32
      %add3A_174 = arith.constant 64 : i32
      %add3A_175 = arith.addi %mul3A_173, %add3A_174 : i32
      %get3A_176 = arith.index_cast %add3A_175 : i32 to index
      %get3A_177 = tpu.vector_load %arg7[%get3A_176] {strides = array<i32>} : memref<3072xi32, #tpu.memory_space<vmem>>, vector<16xi32>,
      %add3A_178 = arith.constant 128 : i32
      %add3A_179 = vector.broadcast %add3A_178 : i32 to vector<16xi32>
      %add3A_180 = arith.addi %get3A_3, %add3A_179 : vector<16xi32>
      %sub3A_181 = arith.subi %add3A_180, %get3A_177 : vector<16xi32>
      %and3A_182 = arith.constant 127 : i32
      %and3A_183 = vector.broadcast %and3A_182 : i32 to vector<16xi32>
      %and3A_184 = arith.andi %sub3A_181, %and3A_183 : vector<16xi32>
      %add3A_185 = arith.constant 64 : i32
      %add3A_186 = vector.broadcast %add3A_185 : i32 to vector<16xi32>
      %add3A_187 = arith.addi %add3A_186, %iota3A : vector<16xi32>
      %gather3A_188 = arith.constant 0 : i32
      %gather3A_189 = arith.constant 0 : i32
      %gather3A_190 = arith.constant 0 : i32
      %gather3A_191 = tpu.memref_slice %arg10[%gather3A_188, %gather3A_189, %gather3A_190] : memref<2x128x256xf32, #tpu.memory_space<vmem>> -> memref<1x128x256xf32, #tpu.memory_space<vmem>>
      %gather3A_192 = tpu.memref_squeeze %gather3A_191 : memref<1x128x256xf32, #tpu.memory_space<vmem>> -> memref<128x256xf32, #tpu.memory_space<vmem>>
      %gather3A_193 = tpu.vector_load_idx %gather3A_192[%and3A_184, %add3A_187] : memref<128x256xf32, #tpu.memory_space<vmem>>[vector<16xi32>, vector<16xi32>], vector<16xf32>,
      %eq3A_194 = arith.constant 0 : i32
      %eq3A_195 = vector.broadcast %eq3A_194 : i32 to vector<16xi32>
      %eq3A_196 = arith.cmpi eq, %get3A_177, %eq3A_195 : vector<16xi32>
      %get3A_197 = arith.index_cast %add3A_175 : i32 to index
      %get3A_198 = tpu.vector_load %arg8[%get3A_197] {strides = array<i32>} : memref<3072xf32, #tpu.memory_space<vmem>>, vector<16xf32>,
      %select_n3A_199 = arith.select %eq3A_196, %get3A_198, %gather3A_193 : vector<16xi1>, vector<16xf32>
      %swap3A_200 = arith.index_cast %add3A_175 : i32 to index
      %swap3A_201 = tpu.vector_load %arg9[%swap3A_200] {strides = array<i32>} : memref<3072xf32, #tpu.memory_space<vmem>>, vector<16xf32>,
      tpu.vector_store %arg9[%swap3A_200], %select_n3A_199 {strides = array<i32>} : memref<3072xf32, #tpu.memory_space<vmem>>, vector<16xf32>,
      %mul3A_202 = arith.constant 256 : i32
      %mul3A_203 = arith.muli %mul3A_27, %mul3A_202 : i32
      %add3A_204 = arith.constant 80 : i32
      %add3A_205 = arith.addi %mul3A_203, %add3A_204 : i32
      %get3A_206 = arith.index_cast %add3A_205 : i32 to index
      %get3A_207 = tpu.vector_load %arg7[%get3A_206] {strides = array<i32>} : memref<3072xi32, #tpu.memory_space<vmem>>, vector<16xi32>,
      %add3A_208 = arith.constant 128 : i32
      %add3A_209 = vector.broadcast %add3A_208 : i32 to vector<16xi32>
      %add3A_210 = arith.addi %get3A_3, %add3A_209 : vector<16xi32>
      %sub3A_211 = arith.subi %add3A_210, %get3A_207 : vector<16xi32>
      %and3A_212 = arith.constant 127 : i32
      %and3A_213 = vector.broadcast %and3A_212 : i32 to vector<16xi32>
      %and3A_214 = arith.andi %sub3A_211, %and3A_213 : vector<16xi32>
      %add3A_215 = arith.constant 80 : i32
      %add3A_216 = vector.broadcast %add3A_215 : i32 to vector<16xi32>
      %add3A_217 = arith.addi %add3A_216, %iota3A : vector<16xi32>
      %gather3A_218 = arith.constant 0 : i32
      %gather3A_219 = arith.constant 0 : i32
      %gather3A_220 = arith.constant 0 : i32
      %gather3A_221 = tpu.memref_slice %arg10[%gather3A_218, %gather3A_219, %gather3A_220] : memref<2x128x256xf32, #tpu.memory_space<vmem>> -> memref<1x128x256xf32, #tpu.memory_space<vmem>>
      %gather3A_222 = tpu.memref_squeeze %gather3A_221 : memref<1x128x256xf32, #tpu.memory_space<vmem>> -> memref<128x256xf32, #tpu.memory_space<vmem>>
      %gather3A_223 = tpu.vector_load_idx %gather3A_222[%and3A_214, %add3A_217] : memref<128x256xf32, #tpu.memory_space<vmem>>[vector<16xi32>, vector<16xi32>], vector<16xf32>,
      %eq3A_224 = arith.constant 0 : i32
      %eq3A_225 = vector.broadcast %eq3A_224 : i32 to vector<16xi32>
      %eq3A_226 = arith.cmpi eq, %get3A_207, %eq3A_225 : vector<16xi32>
      %get3A_227 = arith.index_cast %add3A_205 : i32 to index
      %get3A_228 = tpu.vector_load %arg8[%get3A_227] {strides = array<i32>} : memref<3072xf32, #tpu.memory_space<vmem>>, vector<16xf32>,
      %select_n3A_229 = arith.select %eq3A_226, %get3A_228, %gather3A_223 : vector<16xi1>, vector<16xf32>
      %swap3A_230 = arith.index_cast %add3A_205 : i32 to index
      %swap3A_231 = tpu.vector_load %arg9[%swap3A_230] {strides = array<i32>} : memref<3072xf32, #tpu.memory_space<vmem>>, vector<16xf32>,
      tpu.vector_store %arg9[%swap3A_230], %select_n3A_229 {strides = array<i32>} : memref<3072xf32, #tpu.memory_space<vmem>>, vector<16xf32>,
      %mul3A_232 = arith.constant 256 : i32
      %mul3A_233 = arith.muli %mul3A_27, %mul3A_232 : i32
      %add3A_234 = arith.constant 96 : i32
      %add3A_235 = arith.addi %mul3A_233, %add3A_234 : i32
      %get3A_236 = arith.index_cast %add3A_235 : i32 to index
      %get3A_237 = tpu.vector_load %arg7[%get3A_236] {strides = array<i32>} : memref<3072xi32, #tpu.memory_space<vmem>>, vector<16xi32>,
      %add3A_238 = arith.constant 128 : i32
      %add3A_239 = vector.broadcast %add3A_238 : i32 to vector<16xi32>
      %add3A_240 = arith.addi %get3A_3, %add3A_239 : vector<16xi32>
      %sub3A_241 = arith.subi %add3A_240, %get3A_237 : vector<16xi32>
      %and3A_242 = arith.constant 127 : i32
      %and3A_243 = vector.broadcast %and3A_242 : i32 to vector<16xi32>
      %and3A_244 = arith.andi %sub3A_241, %and3A_243 : vector<16xi32>
      %add3A_245 = arith.constant 96 : i32
      %add3A_246 = vector.broadcast %add3A_245 : i32 to vector<16xi32>
      %add3A_247 = arith.addi %add3A_246, %iota3A : vector<16xi32>
      %gather3A_248 = arith.constant 0 : i32
      %gather3A_249 = arith.constant 0 : i32
      %gather3A_250 = arith.constant 0 : i32
      %gather3A_251 = tpu.memref_slice %arg10[%gather3A_248, %gather3A_249, %gather3A_250] : memref<2x128x256xf32, #tpu.memory_space<vmem>> -> memref<1x128x256xf32, #tpu.memory_space<vmem>>
      %gather3A_252 = tpu.memref_squeeze %gather3A_251 : memref<1x128x256xf32, #tpu.memory_space<vmem>> -> memref<128x256xf32, #tpu.memory_space<vmem>>
      %gather3A_253 = tpu.vector_load_idx %gather3A_252[%and3A_244, %add3A_247] : memref<128x256xf32, #tpu.memory_space<vmem>>[vector<16xi32>, vector<16xi32>], vector<16xf32>,
      %eq3A_254 = arith.constant 0 : i32
      %eq3A_255 = vector.broadcast %eq3A_254 : i32 to vector<16xi32>
      %eq3A_256 = arith.cmpi eq, %get3A_237, %eq3A_255 : vector<16xi32>
      %get3A_257 = arith.index_cast %add3A_235 : i32 to index
      %get3A_258 = tpu.vector_load %arg8[%get3A_257] {strides = array<i32>} : memref<3072xf32, #tpu.memory_space<vmem>>, vector<16xf32>,
      %select_n3A_259 = arith.select %eq3A_256, %get3A_258, %gather3A_253 : vector<16xi1>, vector<16xf32>
      %swap3A_260 = arith.index_cast %add3A_235 : i32 to index
      %swap3A_261 = tpu.vector_load %arg9[%swap3A_260] {strides = array<i32>} : memref<3072xf32, #tpu.memory_space<vmem>>, vector<16xf32>,
      tpu.vector_store %arg9[%swap3A_260], %select_n3A_259 {strides = array<i32>} : memref<3072xf32, #tpu.memory_space<vmem>>, vector<16xf32>,
      %mul3A_262 = arith.constant 256 : i32
      %mul3A_263 = arith.muli %mul3A_27, %mul3A_262 : i32
      %add3A_264 = arith.constant 112 : i32
      %add3A_265 = arith.addi %mul3A_263, %add3A_264 : i32
      %get3A_266 = arith.index_cast %add3A_265 : i32 to index
      %get3A_267 = tpu.vector_load %arg7[%get3A_266] {strides = array<i32>} : memref<3072xi32, #tpu.memory_space<vmem>>, vector<16xi32>,
      %add3A_268 = arith.constant 128 : i32
      %add3A_269 = vector.broadcast %add3A_268 : i32 to vector<16xi32>
      %add3A_270 = arith.addi %get3A_3, %add3A_269 : vector<16xi32>
      %sub3A_271 = arith.subi %add3A_270, %get3A_267 : vector<16xi32>
      %and3A_272 = arith.constant 127 : i32
      %and3A_273 = vector.broadcast %and3A_272 : i32 to vector<16xi32>
      %and3A_274 = arith.andi %sub3A_271, %and3A_273 : vector<16xi32>
      %add3A_275 = arith.constant 112 : i32
      %add3A_276 = vector.broadcast %add3A_275 : i32 to vector<16xi32>
      %add3A_277 = arith.addi %add3A_276, %iota3A : vector<16xi32>
      %gather3A_278 = arith.constant 0 : i32
      %gather3A_279 = arith.constant 0 : i32
      %gather3A_280 = arith.constant 0 : i32
      %gather3A_281 = tpu.memref_slice %arg10[%gather3A_278, %gather3A_279, %gather3A_280] : memref<2x128x256xf32, #tpu.memory_space<vmem>> -> memref<1x128x256xf32, #tpu.memory_space<vmem>>
      %gather3A_282 = tpu.memref_squeeze %gather3A_281 : memref<1x128x256xf32, #tpu.memory_space<vmem>> -> memref<128x256xf32, #tpu.memory_space<vmem>>
      %gather3A_283 = tpu.vector_load_idx %gather3A_282[%and3A_274, %add3A_277] : memref<128x256xf32, #tpu.memory_space<vmem>>[vector<16xi32>, vector<16xi32>], vector<16xf32>,
      %eq3A_284 = arith.constant 0 : i32
      %eq3A_285 = vector.broadcast %eq3A_284 : i32 to vector<16xi32>
      %eq3A_286 = arith.cmpi eq, %get3A_267, %eq3A_285 : vector<16xi32>
      %get3A_287 = arith.index_cast %add3A_265 : i32 to index
      %get3A_288 = tpu.vector_load %arg8[%get3A_287] {strides = array<i32>} : memref<3072xf32, #tpu.memory_space<vmem>>, vector<16xf32>,
      %select_n3A_289 = arith.select %eq3A_286, %get3A_288, %gather3A_283 : vector<16xi1>, vector<16xf32>
      %swap3A_290 = arith.index_cast %add3A_265 : i32 to index
      %swap3A_291 = tpu.vector_load %arg9[%swap3A_290] {strides = array<i32>} : memref<3072xf32, #tpu.memory_space<vmem>>, vector<16xf32>,
      tpu.vector_store %arg9[%swap3A_290], %select_n3A_289 {strides = array<i32>} : memref<3072xf32, #tpu.memory_space<vmem>>, vector<16xf32>,
      %mul3A_292 = arith.constant 256 : i32
      %mul3A_293 = arith.muli %mul3A_27, %mul3A_292 : i32
      %add3A_294 = arith.constant 128 : i32
      %add3A_295 = arith.addi %mul3A_293, %add3A_294 : i32
      %get3A_296 = arith.index_cast %add3A_295 : i32 to index
      %get3A_297 = tpu.vector_load %arg7[%get3A_296] {strides = array<i32>} : memref<3072xi32, #tpu.memory_space<vmem>>, vector<16xi32>,
      %add3A_298 = arith.constant 128 : i32
      %add3A_299 = vector.broadcast %add3A_298 : i32 to vector<16xi32>
      %add3A_300 = arith.addi %get3A_3, %add3A_299 : vector<16xi32>
      %sub3A_301 = arith.subi %add3A_300, %get3A_297 : vector<16xi32>
      %and3A_302 = arith.constant 127 : i32
      %and3A_303 = vector.broadcast %and3A_302 : i32 to vector<16xi32>
      %and3A_304 = arith.andi %sub3A_301, %and3A_303 : vector<16xi32>
      %add3A_305 = arith.constant 128 : i32
      %add3A_306 = vector.broadcast %add3A_305 : i32 to vector<16xi32>
      %add3A_307 = arith.addi %add3A_306, %iota3A : vector<16xi32>
      %gather3A_308 = arith.constant 0 : i32
      %gather3A_309 = arith.constant 0 : i32
      %gather3A_310 = arith.constant 0 : i32
      %gather3A_311 = tpu.memref_slice %arg10[%gather3A_308, %gather3A_309, %gather3A_310] : memref<2x128x256xf32, #tpu.memory_space<vmem>> -> memref<1x128x256xf32, #tpu.memory_space<vmem>>
      %gather3A_312 = tpu.memref_squeeze %gather3A_311 : memref<1x128x256xf32, #tpu.memory_space<vmem>> -> memref<128x256xf32, #tpu.memory_space<vmem>>
      %gather3A_313 = tpu.vector_load_idx %gather3A_312[%and3A_304, %add3A_307] : memref<128x256xf32, #tpu.memory_space<vmem>>[vector<16xi32>, vector<16xi32>], vector<16xf32>,
      %eq3A_314 = arith.constant 0 : i32
      %eq3A_315 = vector.broadcast %eq3A_314 : i32 to vector<16xi32>
      %eq3A_316 = arith.cmpi eq, %get3A_297, %eq3A_315 : vector<16xi32>
      %get3A_317 = arith.index_cast %add3A_295 : i32 to index
      %get3A_318 = tpu.vector_load %arg8[%get3A_317] {strides = array<i32>} : memref<3072xf32, #tpu.memory_space<vmem>>, vector<16xf32>,
      %select_n3A_319 = arith.select %eq3A_316, %get3A_318, %gather3A_313 : vector<16xi1>, vector<16xf32>
      %swap3A_320 = arith.index_cast %add3A_295 : i32 to index
      %swap3A_321 = tpu.vector_load %arg9[%swap3A_320] {strides = array<i32>} : memref<3072xf32, #tpu.memory_space<vmem>>, vector<16xf32>,
      tpu.vector_store %arg9[%swap3A_320], %select_n3A_319 {strides = array<i32>} : memref<3072xf32, #tpu.memory_space<vmem>>, vector<16xf32>,
      %mul3A_322 = arith.constant 256 : i32
      %mul3A_323 = arith.muli %mul3A_27, %mul3A_322 : i32
      %add3A_324 = arith.constant 144 : i32
      %add3A_325 = arith.addi %mul3A_323, %add3A_324 : i32
      %get3A_326 = arith.index_cast %add3A_325 : i32 to index
      %get3A_327 = tpu.vector_load %arg7[%get3A_326] {strides = array<i32>} : memref<3072xi32, #tpu.memory_space<vmem>>, vector<16xi32>,
      %add3A_328 = arith.constant 128 : i32
      %add3A_329 = vector.broadcast %add3A_328 : i32 to vector<16xi32>
      %add3A_330 = arith.addi %get3A_3, %add3A_329 : vector<16xi32>
      %sub3A_331 = arith.subi %add3A_330, %get3A_327 : vector<16xi32>
      %and3A_332 = arith.constant 127 : i32
      %and3A_333 = vector.broadcast %and3A_332 : i32 to vector<16xi32>
      %and3A_334 = arith.andi %sub3A_331, %and3A_333 : vector<16xi32>
      %add3A_335 = arith.constant 144 : i32
      %add3A_336 = vector.broadcast %add3A_335 : i32 to vector<16xi32>
      %add3A_337 = arith.addi %add3A_336, %iota3A : vector<16xi32>
      %gather3A_338 = arith.constant 0 : i32
      %gather3A_339 = arith.constant 0 : i32
      %gather3A_340 = arith.constant 0 : i32
      %gather3A_341 = tpu.memref_slice %arg10[%gather3A_338, %gather3A_339, %gather3A_340] : memref<2x128x256xf32, #tpu.memory_space<vmem>> -> memref<1x128x256xf32, #tpu.memory_space<vmem>>
      %gather3A_342 = tpu.memref_squeeze %gather3A_341 : memref<1x128x256xf32, #tpu.memory_space<vmem>> -> memref<128x256xf32, #tpu.memory_space<vmem>>
      %gather3A_343 = tpu.vector_load_idx %gather3A_342[%and3A_334, %add3A_337] : memref<128x256xf32, #tpu.memory_space<vmem>>[vector<16xi32>, vector<16xi32>], vector<16xf32>,
      %eq3A_344 = arith.constant 0 : i32
      %eq3A_345 = vector.broadcast %eq3A_344 : i32 to vector<16xi32>
      %eq3A_346 = arith.cmpi eq, %get3A_327, %eq3A_345 : vector<16xi32>
      %get3A_347 = arith.index_cast %add3A_325 : i32 to index
      %get3A_348 = tpu.vector_load %arg8[%get3A_347] {strides = array<i32>} : memref<3072xf32, #tpu.memory_space<vmem>>, vector<16xf32>,
      %select_n3A_349 = arith.select %eq3A_346, %get3A_348, %gather3A_343 : vector<16xi1>, vector<16xf32>
      %swap3A_350 = arith.index_cast %add3A_325 : i32 to index
      %swap3A_351 = tpu.vector_load %arg9[%swap3A_350] {strides = array<i32>} : memref<3072xf32, #tpu.memory_space<vmem>>, vector<16xf32>,
      tpu.vector_store %arg9[%swap3A_350], %select_n3A_349 {strides = array<i32>} : memref<3072xf32, #tpu.memory_space<vmem>>, vector<16xf32>,
      %mul3A_352 = arith.constant 256 : i32
      %mul3A_353 = arith.muli %mul3A_27, %mul3A_352 : i32
      %add3A_354 = arith.constant 160 : i32
      %add3A_355 = arith.addi %mul3A_353, %add3A_354 : i32
      %get3A_356 = arith.index_cast %add3A_355 : i32 to index
      %get3A_357 = tpu.vector_load %arg7[%get3A_356] {strides = array<i32>} : memref<3072xi32, #tpu.memory_space<vmem>>, vector<16xi32>,
      %add3A_358 = arith.constant 128 : i32
      %add3A_359 = vector.broadcast %add3A_358 : i32 to vector<16xi32>
      %add3A_360 = arith.addi %get3A_3, %add3A_359 : vector<16xi32>
      %sub3A_361 = arith.subi %add3A_360, %get3A_357 : vector<16xi32>
      %and3A_362 = arith.constant 127 : i32
      %and3A_363 = vector.broadcast %and3A_362 : i32 to vector<16xi32>
      %and3A_364 = arith.andi %sub3A_361, %and3A_363 : vector<16xi32>
      %add3A_365 = arith.constant 160 : i32
      %add3A_366 = vector.broadcast %add3A_365 : i32 to vector<16xi32>
      %add3A_367 = arith.addi %add3A_366, %iota3A : vector<16xi32>
      %gather3A_368 = arith.constant 0 : i32
      %gather3A_369 = arith.constant 0 : i32
      %gather3A_370 = arith.constant 0 : i32
      %gather3A_371 = tpu.memref_slice %arg10[%gather3A_368, %gather3A_369, %gather3A_370] : memref<2x128x256xf32, #tpu.memory_space<vmem>> -> memref<1x128x256xf32, #tpu.memory_space<vmem>>
      %gather3A_372 = tpu.memref_squeeze %gather3A_371 : memref<1x128x256xf32, #tpu.memory_space<vmem>> -> memref<128x256xf32, #tpu.memory_space<vmem>>
      %gather3A_373 = tpu.vector_load_idx %gather3A_372[%and3A_364, %add3A_367] : memref<128x256xf32, #tpu.memory_space<vmem>>[vector<16xi32>, vector<16xi32>], vector<16xf32>,
      %eq3A_374 = arith.constant 0 : i32
      %eq3A_375 = vector.broadcast %eq3A_374 : i32 to vector<16xi32>
      %eq3A_376 = arith.cmpi eq, %get3A_357, %eq3A_375 : vector<16xi32>
      %get3A_377 = arith.index_cast %add3A_355 : i32 to index
      %get3A_378 = tpu.vector_load %arg8[%get3A_377] {strides = array<i32>} : memref<3072xf32, #tpu.memory_space<vmem>>, vector<16xf32>,
      %select_n3A_379 = arith.select %eq3A_376, %get3A_378, %gather3A_373 : vector<16xi1>, vector<16xf32>
      %swap3A_380 = arith.index_cast %add3A_355 : i32 to index
      %swap3A_381 = tpu.vector_load %arg9[%swap3A_380] {strides = array<i32>} : memref<3072xf32, #tpu.memory_space<vmem>>, vector<16xf32>,
      tpu.vector_store %arg9[%swap3A_380], %select_n3A_379 {strides = array<i32>} : memref<3072xf32, #tpu.memory_space<vmem>>, vector<16xf32>,
      %mul3A_382 = arith.constant 256 : i32
      %mul3A_383 = arith.muli %mul3A_27, %mul3A_382 : i32
      %add3A_384 = arith.constant 176 : i32
      %add3A_385 = arith.addi %mul3A_383, %add3A_384 : i32
      %get3A_386 = arith.index_cast %add3A_385 : i32 to index
      %get3A_387 = tpu.vector_load %arg7[%get3A_386] {strides = array<i32>} : memref<3072xi32, #tpu.memory_space<vmem>>, vector<16xi32>,
      %add3A_388 = arith.constant 128 : i32
      %add3A_389 = vector.broadcast %add3A_388 : i32 to vector<16xi32>
      %add3A_390 = arith.addi %get3A_3, %add3A_389 : vector<16xi32>
      %sub3A_391 = arith.subi %add3A_390, %get3A_387 : vector<16xi32>
      %and3A_392 = arith.constant 127 : i32
      %and3A_393 = vector.broadcast %and3A_392 : i32 to vector<16xi32>
      %and3A_394 = arith.andi %sub3A_391, %and3A_393 : vector<16xi32>
      %add3A_395 = arith.constant 176 : i32
      %add3A_396 = vector.broadcast %add3A_395 : i32 to vector<16xi32>
      %add3A_397 = arith.addi %add3A_396, %iota3A : vector<16xi32>
      %gather3A_398 = arith.constant 0 : i32
      %gather3A_399 = arith.constant 0 : i32
      %gather3A_400 = arith.constant 0 : i32
      %gather3A_401 = tpu.memref_slice %arg10[%gather3A_398, %gather3A_399, %gather3A_400] : memref<2x128x256xf32, #tpu.memory_space<vmem>> -> memref<1x128x256xf32, #tpu.memory_space<vmem>>
      %gather3A_402 = tpu.memref_squeeze %gather3A_401 : memref<1x128x256xf32, #tpu.memory_space<vmem>> -> memref<128x256xf32, #tpu.memory_space<vmem>>
      %gather3A_403 = tpu.vector_load_idx %gather3A_402[%and3A_394, %add3A_397] : memref<128x256xf32, #tpu.memory_space<vmem>>[vector<16xi32>, vector<16xi32>], vector<16xf32>,
      %eq3A_404 = arith.constant 0 : i32
      %eq3A_405 = vector.broadcast %eq3A_404 : i32 to vector<16xi32>
      %eq3A_406 = arith.cmpi eq, %get3A_387, %eq3A_405 : vector<16xi32>
      %get3A_407 = arith.index_cast %add3A_385 : i32 to index
      %get3A_408 = tpu.vector_load %arg8[%get3A_407] {strides = array<i32>} : memref<3072xf32, #tpu.memory_space<vmem>>, vector<16xf32>,
      %select_n3A_409 = arith.select %eq3A_406, %get3A_408, %gather3A_403 : vector<16xi1>, vector<16xf32>
      %swap3A_410 = arith.index_cast %add3A_385 : i32 to index
      %swap3A_411 = tpu.vector_load %arg9[%swap3A_410] {strides = array<i32>} : memref<3072xf32, #tpu.memory_space<vmem>>, vector<16xf32>,
      tpu.vector_store %arg9[%swap3A_410], %select_n3A_409 {strides = array<i32>} : memref<3072xf32, #tpu.memory_space<vmem>>, vector<16xf32>,
      %mul3A_412 = arith.constant 256 : i32
      %mul3A_413 = arith.muli %mul3A_27, %mul3A_412 : i32
      %add3A_414 = arith.constant 192 : i32
      %add3A_415 = arith.addi %mul3A_413, %add3A_414 : i32
      %get3A_416 = arith.index_cast %add3A_415 : i32 to index
      %get3A_417 = tpu.vector_load %arg7[%get3A_416] {strides = array<i32>} : memref<3072xi32, #tpu.memory_space<vmem>>, vector<16xi32>,
      %add3A_418 = arith.constant 128 : i32
      %add3A_419 = vector.broadcast %add3A_418 : i32 to vector<16xi32>
      %add3A_420 = arith.addi %get3A_3, %add3A_419 : vector<16xi32>
      %sub3A_421 = arith.subi %add3A_420, %get3A_417 : vector<16xi32>
      %and3A_422 = arith.constant 127 : i32
      %and3A_423 = vector.broadcast %and3A_422 : i32 to vector<16xi32>
      %and3A_424 = arith.andi %sub3A_421, %and3A_423 : vector<16xi32>
      %add3A_425 = arith.constant 192 : i32
      %add3A_426 = vector.broadcast %add3A_425 : i32 to vector<16xi32>
      %add3A_427 = arith.addi %add3A_426, %iota3A : vector<16xi32>
      %gather3A_428 = arith.constant 0 : i32
      %gather3A_429 = arith.constant 0 : i32
      %gather3A_430 = arith.constant 0 : i32
      %gather3A_431 = tpu.memref_slice %arg10[%gather3A_428, %gather3A_429, %gather3A_430] : memref<2x128x256xf32, #tpu.memory_space<vmem>> -> memref<1x128x256xf32, #tpu.memory_space<vmem>>
      %gather3A_432 = tpu.memref_squeeze %gather3A_431 : memref<1x128x256xf32, #tpu.memory_space<vmem>> -> memref<128x256xf32, #tpu.memory_space<vmem>>
      %gather3A_433 = tpu.vector_load_idx %gather3A_432[%and3A_424, %add3A_427] : memref<128x256xf32, #tpu.memory_space<vmem>>[vector<16xi32>, vector<16xi32>], vector<16xf32>,
      %eq3A_434 = arith.constant 0 : i32
      %eq3A_435 = vector.broadcast %eq3A_434 : i32 to vector<16xi32>
      %eq3A_436 = arith.cmpi eq, %get3A_417, %eq3A_435 : vector<16xi32>
      %get3A_437 = arith.index_cast %add3A_415 : i32 to index
      %get3A_438 = tpu.vector_load %arg8[%get3A_437] {strides = array<i32>} : memref<3072xf32, #tpu.memory_space<vmem>>, vector<16xf32>,
      %select_n3A_439 = arith.select %eq3A_436, %get3A_438, %gather3A_433 : vector<16xi1>, vector<16xf32>
      %swap3A_440 = arith.index_cast %add3A_415 : i32 to index
      %swap3A_441 = tpu.vector_load %arg9[%swap3A_440] {strides = array<i32>} : memref<3072xf32, #tpu.memory_space<vmem>>, vector<16xf32>,
      tpu.vector_store %arg9[%swap3A_440], %select_n3A_439 {strides = array<i32>} : memref<3072xf32, #tpu.memory_space<vmem>>, vector<16xf32>,
      %mul3A_442 = arith.constant 256 : i32
      %mul3A_443 = arith.muli %mul3A_27, %mul3A_442 : i32
      %add3A_444 = arith.constant 208 : i32
      %add3A_445 = arith.addi %mul3A_443, %add3A_444 : i32
      %get3A_446 = arith.index_cast %add3A_445 : i32 to index
      %get3A_447 = tpu.vector_load %arg7[%get3A_446] {strides = array<i32>} : memref<3072xi32, #tpu.memory_space<vmem>>, vector<16xi32>,
      %add3A_448 = arith.constant 128 : i32
      %add3A_449 = vector.broadcast %add3A_448 : i32 to vector<16xi32>
      %add3A_450 = arith.addi %get3A_3, %add3A_449 : vector<16xi32>
      %sub3A_451 = arith.subi %add3A_450, %get3A_447 : vector<16xi32>
      %and3A_452 = arith.constant 127 : i32
      %and3A_453 = vector.broadcast %and3A_452 : i32 to vector<16xi32>
      %and3A_454 = arith.andi %sub3A_451, %and3A_453 : vector<16xi32>
      %add3A_455 = arith.constant 208 : i32
      %add3A_456 = vector.broadcast %add3A_455 : i32 to vector<16xi32>
      %add3A_457 = arith.addi %add3A_456, %iota3A : vector<16xi32>
      %gather3A_458 = arith.constant 0 : i32
      %gather3A_459 = arith.constant 0 : i32
      %gather3A_460 = arith.constant 0 : i32
      %gather3A_461 = tpu.memref_slice %arg10[%gather3A_458, %gather3A_459, %gather3A_460] : memref<2x128x256xf32, #tpu.memory_space<vmem>> -> memref<1x128x256xf32, #tpu.memory_space<vmem>>
      %gather3A_462 = tpu.memref_squeeze %gather3A_461 : memref<1x128x256xf32, #tpu.memory_space<vmem>> -> memref<128x256xf32, #tpu.memory_space<vmem>>
      %gather3A_463 = tpu.vector_load_idx %gather3A_462[%and3A_454, %add3A_457] : memref<128x256xf32, #tpu.memory_space<vmem>>[vector<16xi32>, vector<16xi32>], vector<16xf32>,
      %eq3A_464 = arith.constant 0 : i32
      %eq3A_465 = vector.broadcast %eq3A_464 : i32 to vector<16xi32>
      %eq3A_466 = arith.cmpi eq, %get3A_447, %eq3A_465 : vector<16xi32>
      %get3A_467 = arith.index_cast %add3A_445 : i32 to index
      %get3A_468 = tpu.vector_load %arg8[%get3A_467] {strides = array<i32>} : memref<3072xf32, #tpu.memory_space<vmem>>, vector<16xf32>,
      %select_n3A_469 = arith.select %eq3A_466, %get3A_468, %gather3A_463 : vector<16xi1>, vector<16xf32>
      %swap3A_470 = arith.index_cast %add3A_445 : i32 to index
      %swap3A_471 = tpu.vector_load %arg9[%swap3A_470] {strides = array<i32>} : memref<3072xf32, #tpu.memory_space<vmem>>, vector<16xf32>,
      tpu.vector_store %arg9[%swap3A_470], %select_n3A_469 {strides = array<i32>} : memref<3072xf32, #tpu.memory_space<vmem>>, vector<16xf32>,
      %mul3A_472 = arith.constant 256 : i32
      %mul3A_473 = arith.muli %mul3A_27, %mul3A_472 : i32
      %add3A_474 = arith.constant 224 : i32
      %add3A_475 = arith.addi %mul3A_473, %add3A_474 : i32
      %get3A_476 = arith.index_cast %add3A_475 : i32 to index
      %get3A_477 = tpu.vector_load %arg7[%get3A_476] {strides = array<i32>} : memref<3072xi32, #tpu.memory_space<vmem>>, vector<16xi32>,
      %add3A_478 = arith.constant 128 : i32
      %add3A_479 = vector.broadcast %add3A_478 : i32 to vector<16xi32>
      %add3A_480 = arith.addi %get3A_3, %add3A_479 : vector<16xi32>
      %sub3A_481 = arith.subi %add3A_480, %get3A_477 : vector<16xi32>
      %and3A_482 = arith.constant 127 : i32
      %and3A_483 = vector.broadcast %and3A_482 : i32 to vector<16xi32>
      %and3A_484 = arith.andi %sub3A_481, %and3A_483 : vector<16xi32>
      %add3A_485 = arith.constant 224 : i32
      %add3A_486 = vector.broadcast %add3A_485 : i32 to vector<16xi32>
      %add3A_487 = arith.addi %add3A_486, %iota3A : vector<16xi32>
      %gather3A_488 = arith.constant 0 : i32
      %gather3A_489 = arith.constant 0 : i32
      %gather3A_490 = arith.constant 0 : i32
      %gather3A_491 = tpu.memref_slice %arg10[%gather3A_488, %gather3A_489, %gather3A_490] : memref<2x128x256xf32, #tpu.memory_space<vmem>> -> memref<1x128x256xf32, #tpu.memory_space<vmem>>
      %gather3A_492 = tpu.memref_squeeze %gather3A_491 : memref<1x128x256xf32, #tpu.memory_space<vmem>> -> memref<128x256xf32, #tpu.memory_space<vmem>>
      %gather3A_493 = tpu.vector_load_idx %gather3A_492[%and3A_484, %add3A_487] : memref<128x256xf32, #tpu.memory_space<vmem>>[vector<16xi32>, vector<16xi32>], vector<16xf32>,
      %eq3A_494 = arith.constant 0 : i32
      %eq3A_495 = vector.broadcast %eq3A_494 : i32 to vector<16xi32>
      %eq3A_496 = arith.cmpi eq, %get3A_477, %eq3A_495 : vector<16xi32>
      %get3A_497 = arith.index_cast %add3A_475 : i32 to index
      %get3A_498 = tpu.vector_load %arg8[%get3A_497] {strides = array<i32>} : memref<3072xf32, #tpu.memory_space<vmem>>, vector<16xf32>,
      %select_n3A_499 = arith.select %eq3A_496, %get3A_498, %gather3A_493 : vector<16xi1>, vector<16xf32>
      %swap3A_500 = arith.index_cast %add3A_475 : i32 to index
      %swap3A_501 = tpu.vector_load %arg9[%swap3A_500] {strides = array<i32>} : memref<3072xf32, #tpu.memory_space<vmem>>, vector<16xf32>,
      tpu.vector_store %arg9[%swap3A_500], %select_n3A_499 {strides = array<i32>} : memref<3072xf32, #tpu.memory_space<vmem>>, vector<16xf32>,
      %mul3A_502 = arith.constant 256 : i32
      %mul3A_503 = arith.muli %mul3A_27, %mul3A_502 : i32
      %add3A_504 = arith.constant 240 : i32
      %add3A_505 = arith.addi %mul3A_503, %add3A_504 : i32
      %get3A_506 = arith.index_cast %add3A_505 : i32 to index
      %get3A_507 = tpu.vector_load %arg7[%get3A_506] {strides = array<i32>} : memref<3072xi32, #tpu.memory_space<vmem>>, vector<16xi32>,
      %add3A_508 = arith.constant 128 : i32
      %add3A_509 = vector.broadcast %add3A_508 : i32 to vector<16xi32>
      %add3A_510 = arith.addi %get3A_3, %add3A_509 : vector<16xi32>
      %sub3A_511 = arith.subi %add3A_510, %get3A_507 : vector<16xi32>
      %and3A_512 = arith.constant 127 : i32
      %and3A_513 = vector.broadcast %and3A_512 : i32 to vector<16xi32>
      %and3A_514 = arith.andi %sub3A_511, %and3A_513 : vector<16xi32>
      %add3A_515 = arith.constant 240 : i32
      %add3A_516 = vector.broadcast %add3A_515 : i32 to vector<16xi32>
      %add3A_517 = arith.addi %add3A_516, %iota3A : vector<16xi32>
      %gather3A_518 = arith.constant 0 : i32
      %gather3A_519 = arith.constant 0 : i32
      %gather3A_520 = arith.constant 0 : i32
      %gather3A_521 = tpu.memref_slice %arg10[%gather3A_518, %gather3A_519, %gather3A_520] : memref<2x128x256xf32, #tpu.memory_space<vmem>> -> memref<1x128x256xf32, #tpu.memory_space<vmem>>
      %gather3A_522 = tpu.memref_squeeze %gather3A_521 : memref<1x128x256xf32, #tpu.memory_space<vmem>> -> memref<128x256xf32, #tpu.memory_space<vmem>>
      %gather3A_523 = tpu.vector_load_idx %gather3A_522[%and3A_514, %add3A_517] : memref<128x256xf32, #tpu.memory_space<vmem>>[vector<16xi32>, vector<16xi32>], vector<16xf32>,
      %eq3A_524 = arith.constant 0 : i32
      %eq3A_525 = vector.broadcast %eq3A_524 : i32 to vector<16xi32>
      %eq3A_526 = arith.cmpi eq, %get3A_507, %eq3A_525 : vector<16xi32>
      %get3A_527 = arith.index_cast %add3A_505 : i32 to index
      %get3A_528 = tpu.vector_load %arg8[%get3A_527] {strides = array<i32>} : memref<3072xf32, #tpu.memory_space<vmem>>, vector<16xf32>,
      %select_n3A_529 = arith.select %eq3A_526, %get3A_528, %gather3A_523 : vector<16xi1>, vector<16xf32>
      %swap3A_530 = arith.index_cast %add3A_505 : i32 to index
      %swap3A_531 = tpu.vector_load %arg9[%swap3A_530] {strides = array<i32>} : memref<3072xf32, #tpu.memory_space<vmem>>, vector<16xf32>,
      tpu.vector_store %arg9[%swap3A_530], %select_n3A_529 {strides = array<i32>} : memref<3072xf32, #tpu.memory_space<vmem>>, vector<16xf32>,
      %add3A_532 = arith.constant 1 : i32
      %add3A_533 = arith.addi %add3A_29, %add3A_532 : i32
      %lt3A = arith.constant 12 : i32
      %lt3A_534 = arith.cmpi slt, %add3A_533, %lt3A : i32
      %convert_element_type3A = arith.extui %lt3A_534 : i1 to i32
      %cond3A = arith.constant 0 : i32
      %cond3A_535 = arith.cmpi ne, %convert_element_type3A, %cond3A : i32
      scf.if %cond3A_535 {
        %add3A_1030 = arith.constant 1 : i32
        %add3A_1031 = arith.addi %add3A_29, %add3A_1030 : i32
        %mul3A_1032 = arith.constant 256 : i32
        %mul3A_1033 = arith.muli %add3A_1031, %mul3A_1032 : i32
        %add3A_1034 = arith.addi %mul3A_2, %mul3A_1033 : i32
        %dma_start3A_1035 = arith.constant 0 : i32
        %dma_start3A_1036 = arith.constant 0 : i32
        %dma_start3A_1037 = arith.constant 0 : i32
        %dma_start3A_1038 = tpu.memref_slice %arg10[%dma_start3A_1035, %dma_start3A_1036, %dma_start3A_1037] : memref<2x128x256xf32, #tpu.memory_space<vmem>> -> memref<1x128x256xf32, #tpu.memory_space<vmem>>
        %dma_start3A_1039 = tpu.memref_squeeze %dma_start3A_1038 : memref<1x128x256xf32, #tpu.memory_space<vmem>> -> memref<128x256xf32, #tpu.memory_space<vmem>>
        %dma_start3A_1040 = arith.constant 0 : i32
        %dma_start3A_1041 = tpu.memref_slice %arg2[%dma_start3A_1040, %add3A_1034] : memref<128x262144xf32, #tpu.memory_space<hbm>> -> memref<128x256xf32, #tpu.memory_space<hbm>>
        %dma_start3A_1042 = arith.constant 0 : i32
        %dma_start3A_1043 = arith.constant 0 : i32
        %dma_start3A_1044 = tpu.memref_slice %arg10[%dma_start3A_1035, %dma_start3A_1042, %dma_start3A_1043] : memref<2x128x256xf32, #tpu.memory_space<vmem>> -> memref<1x128x256xf32, #tpu.memory_space<vmem>>
        %dma_start3A_1045 = tpu.memref_squeeze %dma_start3A_1044 : memref<1x128x256xf32, #tpu.memory_space<vmem>> -> memref<128x256xf32, #tpu.memory_space<vmem>>
        %dma_start3A_1046 = arith.constant 0 : i32
        %dma_start3A_1047 = tpu.memref_slice %arg2[%dma_start3A_1046, %add3A_1034] : memref<128x262144xf32, #tpu.memory_space<hbm>> -> memref<128x256xf32, #tpu.memory_space<hbm>>
        tpu.enqueue_dma source(%dma_start3A_1047 : memref<128x256xf32, #tpu.memory_space<hbm>>) target(%dma_start3A_1045 : memref<128x256xf32, #tpu.memory_space<vmem>>) target_semaphore(%arg12 : memref<!tpu.dma_semaphore, #tpu.memory_space<semaphore_mem>>)
      } else {
      }
      %dma_wait3A_536 = arith.constant 1 : i32
      %dma_wait3A_537 = arith.constant 0 : i32
      %dma_wait3A_538 = arith.constant 0 : i32
      %dma_wait3A_539 = tpu.memref_slice %arg10[%dma_wait3A_536, %dma_wait3A_537, %dma_wait3A_538] : memref<2x128x256xf32, #tpu.memory_space<vmem>> -> memref<1x128x256xf32, #tpu.memory_space<vmem>>
      %dma_wait3A_540 = tpu.memref_squeeze %dma_wait3A_539 : memref<1x128x256xf32, #tpu.memory_space<vmem>> -> memref<128x256xf32, #tpu.memory_space<vmem>>
      %dma_wait3A_541 = arith.constant 0 : i32
      %dma_wait3A_542 = tpu.memref_slice %arg2[%dma_wait3A_541, %mul3A_2] : memref<128x262144xf32, #tpu.memory_space<hbm>> -> memref<128x256xf32, #tpu.memory_space<hbm>>
      %dma_wait3A_543 = arith.constant 0 : i32
      %dma_wait3A_544 = arith.constant 0 : i32
      %dma_wait3A_545 = tpu.memref_slice %arg10[%dma_wait3A_536, %dma_wait3A_543, %dma_wait3A_544] : memref<2x128x256xf32, #tpu.memory_space<vmem>> -> memref<1x128x256xf32, #tpu.memory_space<vmem>>
      %dma_wait3A_546 = tpu.memref_squeeze %dma_wait3A_545 : memref<1x128x256xf32, #tpu.memory_space<vmem>> -> memref<128x256xf32, #tpu.memory_space<vmem>>
      %dma_wait3A_547 = arith.constant 0 : i32
      %dma_wait3A_548 = tpu.memref_slice %arg2[%dma_wait3A_547, %mul3A_2] : memref<128x262144xf32, #tpu.memory_space<hbm>> -> memref<128x256xf32, #tpu.memory_space<hbm>>
      tpu.wait_dma2 semaphore(%arg13 : memref<!tpu.dma_semaphore, #tpu.memory_space<semaphore_mem>>) src(%dma_wait3A_548 : memref<128x256xf32, #tpu.memory_space<hbm>>) dst(%dma_wait3A_546 : memref<128x256xf32, #tpu.memory_space<vmem>>)
      %mul3A_549 = arith.constant 256 : i32
      %mul3A_550 = arith.muli %add3A_29, %mul3A_549 : i32
      %add3A_551 = arith.constant 0 : i32
      %add3A_552 = arith.addi %mul3A_550, %add3A_551 : i32
      %get3A_553 = arith.index_cast %add3A_552 : i32 to index
      %get3A_554 = tpu.vector_load %arg7[%get3A_553] {strides = array<i32>} : memref<3072xi32, #tpu.memory_space<vmem>>, vector<16xi32>,
      %add3A_555 = arith.constant 128 : i32
      %add3A_556 = vector.broadcast %add3A_555 : i32 to vector<16xi32>
      %add3A_557 = arith.addi %get3A_3, %add3A_556 : vector<16xi32>
      %sub3A_558 = arith.subi %add3A_557, %get3A_554 : vector<16xi32>
      %and3A_559 = arith.constant 127 : i32
      %and3A_560 = vector.broadcast %and3A_559 : i32 to vector<16xi32>
      %and3A_561 = arith.andi %sub3A_558, %and3A_560 : vector<16xi32>
      %add3A_562 = arith.constant 0 : i32
      %add3A_563 = vector.broadcast %add3A_562 : i32 to vector<16xi32>
      %add3A_564 = arith.addi %add3A_563, %iota3A : vector<16xi32>
      %gather3A_565 = arith.constant 1 : i32
      %gather3A_566 = arith.constant 0 : i32
      %gather3A_567 = arith.constant 0 : i32
      %gather3A_568 = tpu.memref_slice %arg10[%gather3A_565, %gather3A_566, %gather3A_567] : memref<2x128x256xf32, #tpu.memory_space<vmem>> -> memref<1x128x256xf32, #tpu.memory_space<vmem>>
      %gather3A_569 = tpu.memref_squeeze %gather3A_568 : memref<1x128x256xf32, #tpu.memory_space<vmem>> -> memref<128x256xf32, #tpu.memory_space<vmem>>
      %gather3A_570 = tpu.vector_load_idx %gather3A_569[%and3A_561, %add3A_564] : memref<128x256xf32, #tpu.memory_space<vmem>>[vector<16xi32>, vector<16xi32>], vector<16xf32>,
      %eq3A_571 = arith.constant 0 : i32
      %eq3A_572 = vector.broadcast %eq3A_571 : i32 to vector<16xi32>
      %eq3A_573 = arith.cmpi eq, %get3A_554, %eq3A_572 : vector<16xi32>
      %get3A_574 = arith.index_cast %add3A_552 : i32 to index
      %get3A_575 = tpu.vector_load %arg8[%get3A_574] {strides = array<i32>} : memref<3072xf32, #tpu.memory_space<vmem>>, vector<16xf32>,
      %select_n3A_576 = arith.select %eq3A_573, %get3A_575, %gather3A_570 : vector<16xi1>, vector<16xf32>
      %swap3A_577 = arith.index_cast %add3A_552 : i32 to index
      %swap3A_578 = tpu.vector_load %arg9[%swap3A_577] {strides = array<i32>} : memref<3072xf32, #tpu.memory_space<vmem>>, vector<16xf32>,
      tpu.vector_store %arg9[%swap3A_577], %select_n3A_576 {strides = array<i32>} : memref<3072xf32, #tpu.memory_space<vmem>>, vector<16xf32>,
      %mul3A_579 = arith.constant 256 : i32
      %mul3A_580 = arith.muli %add3A_29, %mul3A_579 : i32
      %add3A_581 = arith.constant 16 : i32
      %add3A_582 = arith.addi %mul3A_580, %add3A_581 : i32
      %get3A_583 = arith.index_cast %add3A_582 : i32 to index
      %get3A_584 = tpu.vector_load %arg7[%get3A_583] {strides = array<i32>} : memref<3072xi32, #tpu.memory_space<vmem>>, vector<16xi32>,
      %add3A_585 = arith.constant 128 : i32
      %add3A_586 = vector.broadcast %add3A_585 : i32 to vector<16xi32>
      %add3A_587 = arith.addi %get3A_3, %add3A_586 : vector<16xi32>
      %sub3A_588 = arith.subi %add3A_587, %get3A_584 : vector<16xi32>
      %and3A_589 = arith.constant 127 : i32
      %and3A_590 = vector.broadcast %and3A_589 : i32 to vector<16xi32>
      %and3A_591 = arith.andi %sub3A_588, %and3A_590 : vector<16xi32>
      %add3A_592 = arith.constant 16 : i32
      %add3A_593 = vector.broadcast %add3A_592 : i32 to vector<16xi32>
      %add3A_594 = arith.addi %add3A_593, %iota3A : vector<16xi32>
      %gather3A_595 = arith.constant 1 : i32
      %gather3A_596 = arith.constant 0 : i32
      %gather3A_597 = arith.constant 0 : i32
      %gather3A_598 = tpu.memref_slice %arg10[%gather3A_595, %gather3A_596, %gather3A_597] : memref<2x128x256xf32, #tpu.memory_space<vmem>> -> memref<1x128x256xf32, #tpu.memory_space<vmem>>
      %gather3A_599 = tpu.memref_squeeze %gather3A_598 : memref<1x128x256xf32, #tpu.memory_space<vmem>> -> memref<128x256xf32, #tpu.memory_space<vmem>>
      %gather3A_600 = tpu.vector_load_idx %gather3A_599[%and3A_591, %add3A_594] : memref<128x256xf32, #tpu.memory_space<vmem>>[vector<16xi32>, vector<16xi32>], vector<16xf32>,
      %eq3A_601 = arith.constant 0 : i32
      %eq3A_602 = vector.broadcast %eq3A_601 : i32 to vector<16xi32>
      %eq3A_603 = arith.cmpi eq, %get3A_584, %eq3A_602 : vector<16xi32>
      %get3A_604 = arith.index_cast %add3A_582 : i32 to index
      %get3A_605 = tpu.vector_load %arg8[%get3A_604] {strides = array<i32>} : memref<3072xf32, #tpu.memory_space<vmem>>, vector<16xf32>,
      %select_n3A_606 = arith.select %eq3A_603, %get3A_605, %gather3A_600 : vector<16xi1>, vector<16xf32>
      %swap3A_607 = arith.index_cast %add3A_582 : i32 to index
      %swap3A_608 = tpu.vector_load %arg9[%swap3A_607] {strides = array<i32>} : memref<3072xf32, #tpu.memory_space<vmem>>, vector<16xf32>,
      tpu.vector_store %arg9[%swap3A_607], %select_n3A_606 {strides = array<i32>} : memref<3072xf32, #tpu.memory_space<vmem>>, vector<16xf32>,
      %mul3A_609 = arith.constant 256 : i32
      %mul3A_610 = arith.muli %add3A_29, %mul3A_609 : i32
      %add3A_611 = arith.constant 32 : i32
      %add3A_612 = arith.addi %mul3A_610, %add3A_611 : i32
      %get3A_613 = arith.index_cast %add3A_612 : i32 to index
      %get3A_614 = tpu.vector_load %arg7[%get3A_613] {strides = array<i32>} : memref<3072xi32, #tpu.memory_space<vmem>>, vector<16xi32>,
      %add3A_615 = arith.constant 128 : i32
      %add3A_616 = vector.broadcast %add3A_615 : i32 to vector<16xi32>
      %add3A_617 = arith.addi %get3A_3, %add3A_616 : vector<16xi32>
      %sub3A_618 = arith.subi %add3A_617, %get3A_614 : vector<16xi32>
      %and3A_619 = arith.constant 127 : i32
      %and3A_620 = vector.broadcast %and3A_619 : i32 to vector<16xi32>
      %and3A_621 = arith.andi %sub3A_618, %and3A_620 : vector<16xi32>
      %add3A_622 = arith.constant 32 : i32
      %add3A_623 = vector.broadcast %add3A_622 : i32 to vector<16xi32>
      %add3A_624 = arith.addi %add3A_623, %iota3A : vector<16xi32>
      %gather3A_625 = arith.constant 1 : i32
      %gather3A_626 = arith.constant 0 : i32
      %gather3A_627 = arith.constant 0 : i32
      %gather3A_628 = tpu.memref_slice %arg10[%gather3A_625, %gather3A_626, %gather3A_627] : memref<2x128x256xf32, #tpu.memory_space<vmem>> -> memref<1x128x256xf32, #tpu.memory_space<vmem>>
      %gather3A_629 = tpu.memref_squeeze %gather3A_628 : memref<1x128x256xf32, #tpu.memory_space<vmem>> -> memref<128x256xf32, #tpu.memory_space<vmem>>
      %gather3A_630 = tpu.vector_load_idx %gather3A_629[%and3A_621, %add3A_624] : memref<128x256xf32, #tpu.memory_space<vmem>>[vector<16xi32>, vector<16xi32>], vector<16xf32>,
      %eq3A_631 = arith.constant 0 : i32
      %eq3A_632 = vector.broadcast %eq3A_631 : i32 to vector<16xi32>
      %eq3A_633 = arith.cmpi eq, %get3A_614, %eq3A_632 : vector<16xi32>
      %get3A_634 = arith.index_cast %add3A_612 : i32 to index
      %get3A_635 = tpu.vector_load %arg8[%get3A_634] {strides = array<i32>} : memref<3072xf32, #tpu.memory_space<vmem>>, vector<16xf32>,
      %select_n3A_636 = arith.select %eq3A_633, %get3A_635, %gather3A_630 : vector<16xi1>, vector<16xf32>
      %swap3A_637 = arith.index_cast %add3A_612 : i32 to index
      %swap3A_638 = tpu.vector_load %arg9[%swap3A_637] {strides = array<i32>} : memref<3072xf32, #tpu.memory_space<vmem>>, vector<16xf32>,
      tpu.vector_store %arg9[%swap3A_637], %select_n3A_636 {strides = array<i32>} : memref<3072xf32, #tpu.memory_space<vmem>>, vector<16xf32>,
      %mul3A_639 = arith.constant 256 : i32
      %mul3A_640 = arith.muli %add3A_29, %mul3A_639 : i32
      %add3A_641 = arith.constant 48 : i32
      %add3A_642 = arith.addi %mul3A_640, %add3A_641 : i32
      %get3A_643 = arith.index_cast %add3A_642 : i32 to index
      %get3A_644 = tpu.vector_load %arg7[%get3A_643] {strides = array<i32>} : memref<3072xi32, #tpu.memory_space<vmem>>, vector<16xi32>,
      %add3A_645 = arith.constant 128 : i32
      %add3A_646 = vector.broadcast %add3A_645 : i32 to vector<16xi32>
      %add3A_647 = arith.addi %get3A_3, %add3A_646 : vector<16xi32>
      %sub3A_648 = arith.subi %add3A_647, %get3A_644 : vector<16xi32>
      %and3A_649 = arith.constant 127 : i32
      %and3A_650 = vector.broadcast %and3A_649 : i32 to vector<16xi32>
      %and3A_651 = arith.andi %sub3A_648, %and3A_650 : vector<16xi32>
      %add3A_652 = arith.constant 48 : i32
      %add3A_653 = vector.broadcast %add3A_652 : i32 to vector<16xi32>
      %add3A_654 = arith.addi %add3A_653, %iota3A : vector<16xi32>
      %gather3A_655 = arith.constant 1 : i32
      %gather3A_656 = arith.constant 0 : i32
      %gather3A_657 = arith.constant 0 : i32
      %gather3A_658 = tpu.memref_slice %arg10[%gather3A_655, %gather3A_656, %gather3A_657] : memref<2x128x256xf32, #tpu.memory_space<vmem>> -> memref<1x128x256xf32, #tpu.memory_space<vmem>>
      %gather3A_659 = tpu.memref_squeeze %gather3A_658 : memref<1x128x256xf32, #tpu.memory_space<vmem>> -> memref<128x256xf32, #tpu.memory_space<vmem>>
      %gather3A_660 = tpu.vector_load_idx %gather3A_659[%and3A_651, %add3A_654] : memref<128x256xf32, #tpu.memory_space<vmem>>[vector<16xi32>, vector<16xi32>], vector<16xf32>,
      %eq3A_661 = arith.constant 0 : i32
      %eq3A_662 = vector.broadcast %eq3A_661 : i32 to vector<16xi32>
      %eq3A_663 = arith.cmpi eq, %get3A_644, %eq3A_662 : vector<16xi32>
      %get3A_664 = arith.index_cast %add3A_642 : i32 to index
      %get3A_665 = tpu.vector_load %arg8[%get3A_664] {strides = array<i32>} : memref<3072xf32, #tpu.memory_space<vmem>>, vector<16xf32>,
      %select_n3A_666 = arith.select %eq3A_663, %get3A_665, %gather3A_660 : vector<16xi1>, vector<16xf32>
      %swap3A_667 = arith.index_cast %add3A_642 : i32 to index
      %swap3A_668 = tpu.vector_load %arg9[%swap3A_667] {strides = array<i32>} : memref<3072xf32, #tpu.memory_space<vmem>>, vector<16xf32>,
      tpu.vector_store %arg9[%swap3A_667], %select_n3A_666 {strides = array<i32>} : memref<3072xf32, #tpu.memory_space<vmem>>, vector<16xf32>,
      %mul3A_669 = arith.constant 256 : i32
      %mul3A_670 = arith.muli %add3A_29, %mul3A_669 : i32
      %add3A_671 = arith.constant 64 : i32
      %add3A_672 = arith.addi %mul3A_670, %add3A_671 : i32
      %get3A_673 = arith.index_cast %add3A_672 : i32 to index
      %get3A_674 = tpu.vector_load %arg7[%get3A_673] {strides = array<i32>} : memref<3072xi32, #tpu.memory_space<vmem>>, vector<16xi32>,
      %add3A_675 = arith.constant 128 : i32
      %add3A_676 = vector.broadcast %add3A_675 : i32 to vector<16xi32>
      %add3A_677 = arith.addi %get3A_3, %add3A_676 : vector<16xi32>
      %sub3A_678 = arith.subi %add3A_677, %get3A_674 : vector<16xi32>
      %and3A_679 = arith.constant 127 : i32
      %and3A_680 = vector.broadcast %and3A_679 : i32 to vector<16xi32>
      %and3A_681 = arith.andi %sub3A_678, %and3A_680 : vector<16xi32>
      %add3A_682 = arith.constant 64 : i32
      %add3A_683 = vector.broadcast %add3A_682 : i32 to vector<16xi32>
      %add3A_684 = arith.addi %add3A_683, %iota3A : vector<16xi32>
      %gather3A_685 = arith.constant 1 : i32
      %gather3A_686 = arith.constant 0 : i32
      %gather3A_687 = arith.constant 0 : i32
      %gather3A_688 = tpu.memref_slice %arg10[%gather3A_685, %gather3A_686, %gather3A_687] : memref<2x128x256xf32, #tpu.memory_space<vmem>> -> memref<1x128x256xf32, #tpu.memory_space<vmem>>
      %gather3A_689 = tpu.memref_squeeze %gather3A_688 : memref<1x128x256xf32, #tpu.memory_space<vmem>> -> memref<128x256xf32, #tpu.memory_space<vmem>>
      %gather3A_690 = tpu.vector_load_idx %gather3A_689[%and3A_681, %add3A_684] : memref<128x256xf32, #tpu.memory_space<vmem>>[vector<16xi32>, vector<16xi32>], vector<16xf32>,
      %eq3A_691 = arith.constant 0 : i32
      %eq3A_692 = vector.broadcast %eq3A_691 : i32 to vector<16xi32>
      %eq3A_693 = arith.cmpi eq, %get3A_674, %eq3A_692 : vector<16xi32>
      %get3A_694 = arith.index_cast %add3A_672 : i32 to index
      %get3A_695 = tpu.vector_load %arg8[%get3A_694] {strides = array<i32>} : memref<3072xf32, #tpu.memory_space<vmem>>, vector<16xf32>,
      %select_n3A_696 = arith.select %eq3A_693, %get3A_695, %gather3A_690 : vector<16xi1>, vector<16xf32>
      %swap3A_697 = arith.index_cast %add3A_672 : i32 to index
      %swap3A_698 = tpu.vector_load %arg9[%swap3A_697] {strides = array<i32>} : memref<3072xf32, #tpu.memory_space<vmem>>, vector<16xf32>,
      tpu.vector_store %arg9[%swap3A_697], %select_n3A_696 {strides = array<i32>} : memref<3072xf32, #tpu.memory_space<vmem>>, vector<16xf32>,
      %mul3A_699 = arith.constant 256 : i32
      %mul3A_700 = arith.muli %add3A_29, %mul3A_699 : i32
      %add3A_701 = arith.constant 80 : i32
      %add3A_702 = arith.addi %mul3A_700, %add3A_701 : i32
      %get3A_703 = arith.index_cast %add3A_702 : i32 to index
      %get3A_704 = tpu.vector_load %arg7[%get3A_703] {strides = array<i32>} : memref<3072xi32, #tpu.memory_space<vmem>>, vector<16xi32>,
      %add3A_705 = arith.constant 128 : i32
      %add3A_706 = vector.broadcast %add3A_705 : i32 to vector<16xi32>
      %add3A_707 = arith.addi %get3A_3, %add3A_706 : vector<16xi32>
      %sub3A_708 = arith.subi %add3A_707, %get3A_704 : vector<16xi32>
      %and3A_709 = arith.constant 127 : i32
      %and3A_710 = vector.broadcast %and3A_709 : i32 to vector<16xi32>
      %and3A_711 = arith.andi %sub3A_708, %and3A_710 : vector<16xi32>
      %add3A_712 = arith.constant 80 : i32
      %add3A_713 = vector.broadcast %add3A_712 : i32 to vector<16xi32>
      %add3A_714 = arith.addi %add3A_713, %iota3A : vector<16xi32>
      %gather3A_715 = arith.constant 1 : i32
      %gather3A_716 = arith.constant 0 : i32
      %gather3A_717 = arith.constant 0 : i32
      %gather3A_718 = tpu.memref_slice %arg10[%gather3A_715, %gather3A_716, %gather3A_717] : memref<2x128x256xf32, #tpu.memory_space<vmem>> -> memref<1x128x256xf32, #tpu.memory_space<vmem>>
      %gather3A_719 = tpu.memref_squeeze %gather3A_718 : memref<1x128x256xf32, #tpu.memory_space<vmem>> -> memref<128x256xf32, #tpu.memory_space<vmem>>
      %gather3A_720 = tpu.vector_load_idx %gather3A_719[%and3A_711, %add3A_714] : memref<128x256xf32, #tpu.memory_space<vmem>>[vector<16xi32>, vector<16xi32>], vector<16xf32>,
      %eq3A_721 = arith.constant 0 : i32
      %eq3A_722 = vector.broadcast %eq3A_721 : i32 to vector<16xi32>
      %eq3A_723 = arith.cmpi eq, %get3A_704, %eq3A_722 : vector<16xi32>
      %get3A_724 = arith.index_cast %add3A_702 : i32 to index
      %get3A_725 = tpu.vector_load %arg8[%get3A_724] {strides = array<i32>} : memref<3072xf32, #tpu.memory_space<vmem>>, vector<16xf32>,
      %select_n3A_726 = arith.select %eq3A_723, %get3A_725, %gather3A_720 : vector<16xi1>, vector<16xf32>
      %swap3A_727 = arith.index_cast %add3A_702 : i32 to index
      %swap3A_728 = tpu.vector_load %arg9[%swap3A_727] {strides = array<i32>} : memref<3072xf32, #tpu.memory_space<vmem>>, vector<16xf32>,
      tpu.vector_store %arg9[%swap3A_727], %select_n3A_726 {strides = array<i32>} : memref<3072xf32, #tpu.memory_space<vmem>>, vector<16xf32>,
      %mul3A_729 = arith.constant 256 : i32
      %mul3A_730 = arith.muli %add3A_29, %mul3A_729 : i32
      %add3A_731 = arith.constant 96 : i32
      %add3A_732 = arith.addi %mul3A_730, %add3A_731 : i32
      %get3A_733 = arith.index_cast %add3A_732 : i32 to index
      %get3A_734 = tpu.vector_load %arg7[%get3A_733] {strides = array<i32>} : memref<3072xi32, #tpu.memory_space<vmem>>, vector<16xi32>,
      %add3A_735 = arith.constant 128 : i32
      %add3A_736 = vector.broadcast %add3A_735 : i32 to vector<16xi32>
      %add3A_737 = arith.addi %get3A_3, %add3A_736 : vector<16xi32>
      %sub3A_738 = arith.subi %add3A_737, %get3A_734 : vector<16xi32>
      %and3A_739 = arith.constant 127 : i32
      %and3A_740 = vector.broadcast %and3A_739 : i32 to vector<16xi32>
      %and3A_741 = arith.andi %sub3A_738, %and3A_740 : vector<16xi32>
      %add3A_742 = arith.constant 96 : i32
      %add3A_743 = vector.broadcast %add3A_742 : i32 to vector<16xi32>
      %add3A_744 = arith.addi %add3A_743, %iota3A : vector<16xi32>
      %gather3A_745 = arith.constant 1 : i32
      %gather3A_746 = arith.constant 0 : i32
      %gather3A_747 = arith.constant 0 : i32
      %gather3A_748 = tpu.memref_slice %arg10[%gather3A_745, %gather3A_746, %gather3A_747] : memref<2x128x256xf32, #tpu.memory_space<vmem>> -> memref<1x128x256xf32, #tpu.memory_space<vmem>>
      %gather3A_749 = tpu.memref_squeeze %gather3A_748 : memref<1x128x256xf32, #tpu.memory_space<vmem>> -> memref<128x256xf32, #tpu.memory_space<vmem>>
      %gather3A_750 = tpu.vector_load_idx %gather3A_749[%and3A_741, %add3A_744] : memref<128x256xf32, #tpu.memory_space<vmem>>[vector<16xi32>, vector<16xi32>], vector<16xf32>,
      %eq3A_751 = arith.constant 0 : i32
      %eq3A_752 = vector.broadcast %eq3A_751 : i32 to vector<16xi32>
      %eq3A_753 = arith.cmpi eq, %get3A_734, %eq3A_752 : vector<16xi32>
      %get3A_754 = arith.index_cast %add3A_732 : i32 to index
      %get3A_755 = tpu.vector_load %arg8[%get3A_754] {strides = array<i32>} : memref<3072xf32, #tpu.memory_space<vmem>>, vector<16xf32>,
      %select_n3A_756 = arith.select %eq3A_753, %get3A_755, %gather3A_750 : vector<16xi1>, vector<16xf32>
      %swap3A_757 = arith.index_cast %add3A_732 : i32 to index
      %swap3A_758 = tpu.vector_load %arg9[%swap3A_757] {strides = array<i32>} : memref<3072xf32, #tpu.memory_space<vmem>>, vector<16xf32>,
      tpu.vector_store %arg9[%swap3A_757], %select_n3A_756 {strides = array<i32>} : memref<3072xf32, #tpu.memory_space<vmem>>, vector<16xf32>,
      %mul3A_759 = arith.constant 256 : i32
      %mul3A_760 = arith.muli %add3A_29, %mul3A_759 : i32
      %add3A_761 = arith.constant 112 : i32
      %add3A_762 = arith.addi %mul3A_760, %add3A_761 : i32
      %get3A_763 = arith.index_cast %add3A_762 : i32 to index
      %get3A_764 = tpu.vector_load %arg7[%get3A_763] {strides = array<i32>} : memref<3072xi32, #tpu.memory_space<vmem>>, vector<16xi32>,
      %add3A_765 = arith.constant 128 : i32
      %add3A_766 = vector.broadcast %add3A_765 : i32 to vector<16xi32>
      %add3A_767 = arith.addi %get3A_3, %add3A_766 : vector<16xi32>
      %sub3A_768 = arith.subi %add3A_767, %get3A_764 : vector<16xi32>
      %and3A_769 = arith.constant 127 : i32
      %and3A_770 = vector.broadcast %and3A_769 : i32 to vector<16xi32>
      %and3A_771 = arith.andi %sub3A_768, %and3A_770 : vector<16xi32>
      %add3A_772 = arith.constant 112 : i32
      %add3A_773 = vector.broadcast %add3A_772 : i32 to vector<16xi32>
      %add3A_774 = arith.addi %add3A_773, %iota3A : vector<16xi32>
      %gather3A_775 = arith.constant 1 : i32
      %gather3A_776 = arith.constant 0 : i32
      %gather3A_777 = arith.constant 0 : i32
      %gather3A_778 = tpu.memref_slice %arg10[%gather3A_775, %gather3A_776, %gather3A_777] : memref<2x128x256xf32, #tpu.memory_space<vmem>> -> memref<1x128x256xf32, #tpu.memory_space<vmem>>
      %gather3A_779 = tpu.memref_squeeze %gather3A_778 : memref<1x128x256xf32, #tpu.memory_space<vmem>> -> memref<128x256xf32, #tpu.memory_space<vmem>>
      %gather3A_780 = tpu.vector_load_idx %gather3A_779[%and3A_771, %add3A_774] : memref<128x256xf32, #tpu.memory_space<vmem>>[vector<16xi32>, vector<16xi32>], vector<16xf32>,
      %eq3A_781 = arith.constant 0 : i32
      %eq3A_782 = vector.broadcast %eq3A_781 : i32 to vector<16xi32>
      %eq3A_783 = arith.cmpi eq, %get3A_764, %eq3A_782 : vector<16xi32>
      %get3A_784 = arith.index_cast %add3A_762 : i32 to index
      %get3A_785 = tpu.vector_load %arg8[%get3A_784] {strides = array<i32>} : memref<3072xf32, #tpu.memory_space<vmem>>, vector<16xf32>,
      %select_n3A_786 = arith.select %eq3A_783, %get3A_785, %gather3A_780 : vector<16xi1>, vector<16xf32>
      %swap3A_787 = arith.index_cast %add3A_762 : i32 to index
      %swap3A_788 = tpu.vector_load %arg9[%swap3A_787] {strides = array<i32>} : memref<3072xf32, #tpu.memory_space<vmem>>, vector<16xf32>,
      tpu.vector_store %arg9[%swap3A_787], %select_n3A_786 {strides = array<i32>} : memref<3072xf32, #tpu.memory_space<vmem>>, vector<16xf32>,
      %mul3A_789 = arith.constant 256 : i32
      %mul3A_790 = arith.muli %add3A_29, %mul3A_789 : i32
      %add3A_791 = arith.constant 128 : i32
      %add3A_792 = arith.addi %mul3A_790, %add3A_791 : i32
      %get3A_793 = arith.index_cast %add3A_792 : i32 to index
      %get3A_794 = tpu.vector_load %arg7[%get3A_793] {strides = array<i32>} : memref<3072xi32, #tpu.memory_space<vmem>>, vector<16xi32>,
      %add3A_795 = arith.constant 128 : i32
      %add3A_796 = vector.broadcast %add3A_795 : i32 to vector<16xi32>
      %add3A_797 = arith.addi %get3A_3, %add3A_796 : vector<16xi32>
      %sub3A_798 = arith.subi %add3A_797, %get3A_794 : vector<16xi32>
      %and3A_799 = arith.constant 127 : i32
      %and3A_800 = vector.broadcast %and3A_799 : i32 to vector<16xi32>
      %and3A_801 = arith.andi %sub3A_798, %and3A_800 : vector<16xi32>
      %add3A_802 = arith.constant 128 : i32
      %add3A_803 = vector.broadcast %add3A_802 : i32 to vector<16xi32>
      %add3A_804 = arith.addi %add3A_803, %iota3A : vector<16xi32>
      %gather3A_805 = arith.constant 1 : i32
      %gather3A_806 = arith.constant 0 : i32
      %gather3A_807 = arith.constant 0 : i32
      %gather3A_808 = tpu.memref_slice %arg10[%gather3A_805, %gather3A_806, %gather3A_807] : memref<2x128x256xf32, #tpu.memory_space<vmem>> -> memref<1x128x256xf32, #tpu.memory_space<vmem>>
      %gather3A_809 = tpu.memref_squeeze %gather3A_808 : memref<1x128x256xf32, #tpu.memory_space<vmem>> -> memref<128x256xf32, #tpu.memory_space<vmem>>
      %gather3A_810 = tpu.vector_load_idx %gather3A_809[%and3A_801, %add3A_804] : memref<128x256xf32, #tpu.memory_space<vmem>>[vector<16xi32>, vector<16xi32>], vector<16xf32>,
      %eq3A_811 = arith.constant 0 : i32
      %eq3A_812 = vector.broadcast %eq3A_811 : i32 to vector<16xi32>
      %eq3A_813 = arith.cmpi eq, %get3A_794, %eq3A_812 : vector<16xi32>
      %get3A_814 = arith.index_cast %add3A_792 : i32 to index
      %get3A_815 = tpu.vector_load %arg8[%get3A_814] {strides = array<i32>} : memref<3072xf32, #tpu.memory_space<vmem>>, vector<16xf32>,
      %select_n3A_816 = arith.select %eq3A_813, %get3A_815, %gather3A_810 : vector<16xi1>, vector<16xf32>
      %swap3A_817 = arith.index_cast %add3A_792 : i32 to index
      %swap3A_818 = tpu.vector_load %arg9[%swap3A_817] {strides = array<i32>} : memref<3072xf32, #tpu.memory_space<vmem>>, vector<16xf32>,
      tpu.vector_store %arg9[%swap3A_817], %select_n3A_816 {strides = array<i32>} : memref<3072xf32, #tpu.memory_space<vmem>>, vector<16xf32>,
      %mul3A_819 = arith.constant 256 : i32
      %mul3A_820 = arith.muli %add3A_29, %mul3A_819 : i32
      %add3A_821 = arith.constant 144 : i32
      %add3A_822 = arith.addi %mul3A_820, %add3A_821 : i32
      %get3A_823 = arith.index_cast %add3A_822 : i32 to index
      %get3A_824 = tpu.vector_load %arg7[%get3A_823] {strides = array<i32>} : memref<3072xi32, #tpu.memory_space<vmem>>, vector<16xi32>,
      %add3A_825 = arith.constant 128 : i32
      %add3A_826 = vector.broadcast %add3A_825 : i32 to vector<16xi32>
      %add3A_827 = arith.addi %get3A_3, %add3A_826 : vector<16xi32>
      %sub3A_828 = arith.subi %add3A_827, %get3A_824 : vector<16xi32>
      %and3A_829 = arith.constant 127 : i32
      %and3A_830 = vector.broadcast %and3A_829 : i32 to vector<16xi32>
      %and3A_831 = arith.andi %sub3A_828, %and3A_830 : vector<16xi32>
      %add3A_832 = arith.constant 144 : i32
      %add3A_833 = vector.broadcast %add3A_832 : i32 to vector<16xi32>
      %add3A_834 = arith.addi %add3A_833, %iota3A : vector<16xi32>
      %gather3A_835 = arith.constant 1 : i32
      %gather3A_836 = arith.constant 0 : i32
      %gather3A_837 = arith.constant 0 : i32
      %gather3A_838 = tpu.memref_slice %arg10[%gather3A_835, %gather3A_836, %gather3A_837] : memref<2x128x256xf32, #tpu.memory_space<vmem>> -> memref<1x128x256xf32, #tpu.memory_space<vmem>>
      %gather3A_839 = tpu.memref_squeeze %gather3A_838 : memref<1x128x256xf32, #tpu.memory_space<vmem>> -> memref<128x256xf32, #tpu.memory_space<vmem>>
      %gather3A_840 = tpu.vector_load_idx %gather3A_839[%and3A_831, %add3A_834] : memref<128x256xf32, #tpu.memory_space<vmem>>[vector<16xi32>, vector<16xi32>], vector<16xf32>,
      %eq3A_841 = arith.constant 0 : i32
      %eq3A_842 = vector.broadcast %eq3A_841 : i32 to vector<16xi32>
      %eq3A_843 = arith.cmpi eq, %get3A_824, %eq3A_842 : vector<16xi32>
      %get3A_844 = arith.index_cast %add3A_822 : i32 to index
      %get3A_845 = tpu.vector_load %arg8[%get3A_844] {strides = array<i32>} : memref<3072xf32, #tpu.memory_space<vmem>>, vector<16xf32>,
      %select_n3A_846 = arith.select %eq3A_843, %get3A_845, %gather3A_840 : vector<16xi1>, vector<16xf32>
      %swap3A_847 = arith.index_cast %add3A_822 : i32 to index
      %swap3A_848 = tpu.vector_load %arg9[%swap3A_847] {strides = array<i32>} : memref<3072xf32, #tpu.memory_space<vmem>>, vector<16xf32>,
      tpu.vector_store %arg9[%swap3A_847], %select_n3A_846 {strides = array<i32>} : memref<3072xf32, #tpu.memory_space<vmem>>, vector<16xf32>,
      %mul3A_849 = arith.constant 256 : i32
      %mul3A_850 = arith.muli %add3A_29, %mul3A_849 : i32
      %add3A_851 = arith.constant 160 : i32
      %add3A_852 = arith.addi %mul3A_850, %add3A_851 : i32
      %get3A_853 = arith.index_cast %add3A_852 : i32 to index
      %get3A_854 = tpu.vector_load %arg7[%get3A_853] {strides = array<i32>} : memref<3072xi32, #tpu.memory_space<vmem>>, vector<16xi32>,
      %add3A_855 = arith.constant 128 : i32
      %add3A_856 = vector.broadcast %add3A_855 : i32 to vector<16xi32>
      %add3A_857 = arith.addi %get3A_3, %add3A_856 : vector<16xi32>
      %sub3A_858 = arith.subi %add3A_857, %get3A_854 : vector<16xi32>
      %and3A_859 = arith.constant 127 : i32
      %and3A_860 = vector.broadcast %and3A_859 : i32 to vector<16xi32>
      %and3A_861 = arith.andi %sub3A_858, %and3A_860 : vector<16xi32>
      %add3A_862 = arith.constant 160 : i32
      %add3A_863 = vector.broadcast %add3A_862 : i32 to vector<16xi32>
      %add3A_864 = arith.addi %add3A_863, %iota3A : vector<16xi32>
      %gather3A_865 = arith.constant 1 : i32
      %gather3A_866 = arith.constant 0 : i32
      %gather3A_867 = arith.constant 0 : i32
      %gather3A_868 = tpu.memref_slice %arg10[%gather3A_865, %gather3A_866, %gather3A_867] : memref<2x128x256xf32, #tpu.memory_space<vmem>> -> memref<1x128x256xf32, #tpu.memory_space<vmem>>
      %gather3A_869 = tpu.memref_squeeze %gather3A_868 : memref<1x128x256xf32, #tpu.memory_space<vmem>> -> memref<128x256xf32, #tpu.memory_space<vmem>>
      %gather3A_870 = tpu.vector_load_idx %gather3A_869[%and3A_861, %add3A_864] : memref<128x256xf32, #tpu.memory_space<vmem>>[vector<16xi32>, vector<16xi32>], vector<16xf32>,
      %eq3A_871 = arith.constant 0 : i32
      %eq3A_872 = vector.broadcast %eq3A_871 : i32 to vector<16xi32>
      %eq3A_873 = arith.cmpi eq, %get3A_854, %eq3A_872 : vector<16xi32>
      %get3A_874 = arith.index_cast %add3A_852 : i32 to index
      %get3A_875 = tpu.vector_load %arg8[%get3A_874] {strides = array<i32>} : memref<3072xf32, #tpu.memory_space<vmem>>, vector<16xf32>,
      %select_n3A_876 = arith.select %eq3A_873, %get3A_875, %gather3A_870 : vector<16xi1>, vector<16xf32>
      %swap3A_877 = arith.index_cast %add3A_852 : i32 to index
      %swap3A_878 = tpu.vector_load %arg9[%swap3A_877] {strides = array<i32>} : memref<3072xf32, #tpu.memory_space<vmem>>, vector<16xf32>,
      tpu.vector_store %arg9[%swap3A_877], %select_n3A_876 {strides = array<i32>} : memref<3072xf32, #tpu.memory_space<vmem>>, vector<16xf32>,
      %mul3A_879 = arith.constant 256 : i32
      %mul3A_880 = arith.muli %add3A_29, %mul3A_879 : i32
      %add3A_881 = arith.constant 176 : i32
      %add3A_882 = arith.addi %mul3A_880, %add3A_881 : i32
      %get3A_883 = arith.index_cast %add3A_882 : i32 to index
      %get3A_884 = tpu.vector_load %arg7[%get3A_883] {strides = array<i32>} : memref<3072xi32, #tpu.memory_space<vmem>>, vector<16xi32>,
      %add3A_885 = arith.constant 128 : i32
      %add3A_886 = vector.broadcast %add3A_885 : i32 to vector<16xi32>
      %add3A_887 = arith.addi %get3A_3, %add3A_886 : vector<16xi32>
      %sub3A_888 = arith.subi %add3A_887, %get3A_884 : vector<16xi32>
      %and3A_889 = arith.constant 127 : i32
      %and3A_890 = vector.broadcast %and3A_889 : i32 to vector<16xi32>
      %and3A_891 = arith.andi %sub3A_888, %and3A_890 : vector<16xi32>
      %add3A_892 = arith.constant 176 : i32
      %add3A_893 = vector.broadcast %add3A_892 : i32 to vector<16xi32>
      %add3A_894 = arith.addi %add3A_893, %iota3A : vector<16xi32>
      %gather3A_895 = arith.constant 1 : i32
      %gather3A_896 = arith.constant 0 : i32
      %gather3A_897 = arith.constant 0 : i32
      %gather3A_898 = tpu.memref_slice %arg10[%gather3A_895, %gather3A_896, %gather3A_897] : memref<2x128x256xf32, #tpu.memory_space<vmem>> -> memref<1x128x256xf32, #tpu.memory_space<vmem>>
      %gather3A_899 = tpu.memref_squeeze %gather3A_898 : memref<1x128x256xf32, #tpu.memory_space<vmem>> -> memref<128x256xf32, #tpu.memory_space<vmem>>
      %gather3A_900 = tpu.vector_load_idx %gather3A_899[%and3A_891, %add3A_894] : memref<128x256xf32, #tpu.memory_space<vmem>>[vector<16xi32>, vector<16xi32>], vector<16xf32>,
      %eq3A_901 = arith.constant 0 : i32
      %eq3A_902 = vector.broadcast %eq3A_901 : i32 to vector<16xi32>
      %eq3A_903 = arith.cmpi eq, %get3A_884, %eq3A_902 : vector<16xi32>
      %get3A_904 = arith.index_cast %add3A_882 : i32 to index
      %get3A_905 = tpu.vector_load %arg8[%get3A_904] {strides = array<i32>} : memref<3072xf32, #tpu.memory_space<vmem>>, vector<16xf32>,
      %select_n3A_906 = arith.select %eq3A_903, %get3A_905, %gather3A_900 : vector<16xi1>, vector<16xf32>
      %swap3A_907 = arith.index_cast %add3A_882 : i32 to index
      %swap3A_908 = tpu.vector_load %arg9[%swap3A_907] {strides = array<i32>} : memref<3072xf32, #tpu.memory_space<vmem>>, vector<16xf32>,
      tpu.vector_store %arg9[%swap3A_907], %select_n3A_906 {strides = array<i32>} : memref<3072xf32, #tpu.memory_space<vmem>>, vector<16xf32>,
      %mul3A_909 = arith.constant 256 : i32
      %mul3A_910 = arith.muli %add3A_29, %mul3A_909 : i32
      %add3A_911 = arith.constant 192 : i32
      %add3A_912 = arith.addi %mul3A_910, %add3A_911 : i32
      %get3A_913 = arith.index_cast %add3A_912 : i32 to index
      %get3A_914 = tpu.vector_load %arg7[%get3A_913] {strides = array<i32>} : memref<3072xi32, #tpu.memory_space<vmem>>, vector<16xi32>,
      %add3A_915 = arith.constant 128 : i32
      %add3A_916 = vector.broadcast %add3A_915 : i32 to vector<16xi32>
      %add3A_917 = arith.addi %get3A_3, %add3A_916 : vector<16xi32>
      %sub3A_918 = arith.subi %add3A_917, %get3A_914 : vector<16xi32>
      %and3A_919 = arith.constant 127 : i32
      %and3A_920 = vector.broadcast %and3A_919 : i32 to vector<16xi32>
      %and3A_921 = arith.andi %sub3A_918, %and3A_920 : vector<16xi32>
      %add3A_922 = arith.constant 192 : i32
      %add3A_923 = vector.broadcast %add3A_922 : i32 to vector<16xi32>
      %add3A_924 = arith.addi %add3A_923, %iota3A : vector<16xi32>
      %gather3A_925 = arith.constant 1 : i32
      %gather3A_926 = arith.constant 0 : i32
      %gather3A_927 = arith.constant 0 : i32
      %gather3A_928 = tpu.memref_slice %arg10[%gather3A_925, %gather3A_926, %gather3A_927] : memref<2x128x256xf32, #tpu.memory_space<vmem>> -> memref<1x128x256xf32, #tpu.memory_space<vmem>>
      %gather3A_929 = tpu.memref_squeeze %gather3A_928 : memref<1x128x256xf32, #tpu.memory_space<vmem>> -> memref<128x256xf32, #tpu.memory_space<vmem>>
      %gather3A_930 = tpu.vector_load_idx %gather3A_929[%and3A_921, %add3A_924] : memref<128x256xf32, #tpu.memory_space<vmem>>[vector<16xi32>, vector<16xi32>], vector<16xf32>,
      %eq3A_931 = arith.constant 0 : i32
      %eq3A_932 = vector.broadcast %eq3A_931 : i32 to vector<16xi32>
      %eq3A_933 = arith.cmpi eq, %get3A_914, %eq3A_932 : vector<16xi32>
      %get3A_934 = arith.index_cast %add3A_912 : i32 to index
      %get3A_935 = tpu.vector_load %arg8[%get3A_934] {strides = array<i32>} : memref<3072xf32, #tpu.memory_space<vmem>>, vector<16xf32>,
      %select_n3A_936 = arith.select %eq3A_933, %get3A_935, %gather3A_930 : vector<16xi1>, vector<16xf32>
      %swap3A_937 = arith.index_cast %add3A_912 : i32 to index
      %swap3A_938 = tpu.vector_load %arg9[%swap3A_937] {strides = array<i32>} : memref<3072xf32, #tpu.memory_space<vmem>>, vector<16xf32>,
      tpu.vector_store %arg9[%swap3A_937], %select_n3A_936 {strides = array<i32>} : memref<3072xf32, #tpu.memory_space<vmem>>, vector<16xf32>,
      %mul3A_939 = arith.constant 256 : i32
      %mul3A_940 = arith.muli %add3A_29, %mul3A_939 : i32
      %add3A_941 = arith.constant 208 : i32
      %add3A_942 = arith.addi %mul3A_940, %add3A_941 : i32
      %get3A_943 = arith.index_cast %add3A_942 : i32 to index
      %get3A_944 = tpu.vector_load %arg7[%get3A_943] {strides = array<i32>} : memref<3072xi32, #tpu.memory_space<vmem>>, vector<16xi32>,
      %add3A_945 = arith.constant 128 : i32
      %add3A_946 = vector.broadcast %add3A_945 : i32 to vector<16xi32>
      %add3A_947 = arith.addi %get3A_3, %add3A_946 : vector<16xi32>
      %sub3A_948 = arith.subi %add3A_947, %get3A_944 : vector<16xi32>
      %and3A_949 = arith.constant 127 : i32
      %and3A_950 = vector.broadcast %and3A_949 : i32 to vector<16xi32>
      %and3A_951 = arith.andi %sub3A_948, %and3A_950 : vector<16xi32>
      %add3A_952 = arith.constant 208 : i32
      %add3A_953 = vector.broadcast %add3A_952 : i32 to vector<16xi32>
      %add3A_954 = arith.addi %add3A_953, %iota3A : vector<16xi32>
      %gather3A_955 = arith.constant 1 : i32
      %gather3A_956 = arith.constant 0 : i32
      %gather3A_957 = arith.constant 0 : i32
      %gather3A_958 = tpu.memref_slice %arg10[%gather3A_955, %gather3A_956, %gather3A_957] : memref<2x128x256xf32, #tpu.memory_space<vmem>> -> memref<1x128x256xf32, #tpu.memory_space<vmem>>
      %gather3A_959 = tpu.memref_squeeze %gather3A_958 : memref<1x128x256xf32, #tpu.memory_space<vmem>> -> memref<128x256xf32, #tpu.memory_space<vmem>>
      %gather3A_960 = tpu.vector_load_idx %gather3A_959[%and3A_951, %add3A_954] : memref<128x256xf32, #tpu.memory_space<vmem>>[vector<16xi32>, vector<16xi32>], vector<16xf32>,
      %eq3A_961 = arith.constant 0 : i32
      %eq3A_962 = vector.broadcast %eq3A_961 : i32 to vector<16xi32>
      %eq3A_963 = arith.cmpi eq, %get3A_944, %eq3A_962 : vector<16xi32>
      %get3A_964 = arith.index_cast %add3A_942 : i32 to index
      %get3A_965 = tpu.vector_load %arg8[%get3A_964] {strides = array<i32>} : memref<3072xf32, #tpu.memory_space<vmem>>, vector<16xf32>,
      %select_n3A_966 = arith.select %eq3A_963, %get3A_965, %gather3A_960 : vector<16xi1>, vector<16xf32>
      %swap3A_967 = arith.index_cast %add3A_942 : i32 to index
      %swap3A_968 = tpu.vector_load %arg9[%swap3A_967] {strides = array<i32>} : memref<3072xf32, #tpu.memory_space<vmem>>, vector<16xf32>,
      tpu.vector_store %arg9[%swap3A_967], %select_n3A_966 {strides = array<i32>} : memref<3072xf32, #tpu.memory_space<vmem>>, vector<16xf32>,
      %mul3A_969 = arith.constant 256 : i32
      %mul3A_970 = arith.muli %add3A_29, %mul3A_969 : i32
      %add3A_971 = arith.constant 224 : i32
      %add3A_972 = arith.addi %mul3A_970, %add3A_971 : i32
      %get3A_973 = arith.index_cast %add3A_972 : i32 to index
      %get3A_974 = tpu.vector_load %arg7[%get3A_973] {strides = array<i32>} : memref<3072xi32, #tpu.memory_space<vmem>>, vector<16xi32>,
      %add3A_975 = arith.constant 128 : i32
      %add3A_976 = vector.broadcast %add3A_975 : i32 to vector<16xi32>
      %add3A_977 = arith.addi %get3A_3, %add3A_976 : vector<16xi32>
      %sub3A_978 = arith.subi %add3A_977, %get3A_974 : vector<16xi32>
      %and3A_979 = arith.constant 127 : i32
      %and3A_980 = vector.broadcast %and3A_979 : i32 to vector<16xi32>
      %and3A_981 = arith.andi %sub3A_978, %and3A_980 : vector<16xi32>
      %add3A_982 = arith.constant 224 : i32
      %add3A_983 = vector.broadcast %add3A_982 : i32 to vector<16xi32>
      %add3A_984 = arith.addi %add3A_983, %iota3A : vector<16xi32>
      %gather3A_985 = arith.constant 1 : i32
      %gather3A_986 = arith.constant 0 : i32
      %gather3A_987 = arith.constant 0 : i32
      %gather3A_988 = tpu.memref_slice %arg10[%gather3A_985, %gather3A_986, %gather3A_987] : memref<2x128x256xf32, #tpu.memory_space<vmem>> -> memref<1x128x256xf32, #tpu.memory_space<vmem>>
      %gather3A_989 = tpu.memref_squeeze %gather3A_988 : memref<1x128x256xf32, #tpu.memory_space<vmem>> -> memref<128x256xf32, #tpu.memory_space<vmem>>
      %gather3A_990 = tpu.vector_load_idx %gather3A_989[%and3A_981, %add3A_984] : memref<128x256xf32, #tpu.memory_space<vmem>>[vector<16xi32>, vector<16xi32>], vector<16xf32>,
      %eq3A_991 = arith.constant 0 : i32
      %eq3A_992 = vector.broadcast %eq3A_991 : i32 to vector<16xi32>
      %eq3A_993 = arith.cmpi eq, %get3A_974, %eq3A_992 : vector<16xi32>
      %get3A_994 = arith.index_cast %add3A_972 : i32 to index
      %get3A_995 = tpu.vector_load %arg8[%get3A_994] {strides = array<i32>} : memref<3072xf32, #tpu.memory_space<vmem>>, vector<16xf32>,
      %select_n3A_996 = arith.select %eq3A_993, %get3A_995, %gather3A_990 : vector<16xi1>, vector<16xf32>
      %swap3A_997 = arith.index_cast %add3A_972 : i32 to index
      %swap3A_998 = tpu.vector_load %arg9[%swap3A_997] {strides = array<i32>} : memref<3072xf32, #tpu.memory_space<vmem>>, vector<16xf32>,
      tpu.vector_store %arg9[%swap3A_997], %select_n3A_996 {strides = array<i32>} : memref<3072xf32, #tpu.memory_space<vmem>>, vector<16xf32>,
      %mul3A_999 = arith.constant 256 : i32
      %mul3A_1000 = arith.muli %add3A_29, %mul3A_999 : i32
      %add3A_1001 = arith.constant 240 : i32
      %add3A_1002 = arith.addi %mul3A_1000, %add3A_1001 : i32
      %get3A_1003 = arith.index_cast %add3A_1002 : i32 to index
      %get3A_1004 = tpu.vector_load %arg7[%get3A_1003] {strides = array<i32>} : memref<3072xi32, #tpu.memory_space<vmem>>, vector<16xi32>,
      %add3A_1005 = arith.constant 128 : i32
      %add3A_1006 = vector.broadcast %add3A_1005 : i32 to vector<16xi32>
      %add3A_1007 = arith.addi %get3A_3, %add3A_1006 : vector<16xi32>
      %sub3A_1008 = arith.subi %add3A_1007, %get3A_1004 : vector<16xi32>
      %and3A_1009 = arith.constant 127 : i32
      %and3A_1010 = vector.broadcast %and3A_1009 : i32 to vector<16xi32>
      %and3A_1011 = arith.andi %sub3A_1008, %and3A_1010 : vector<16xi32>
      %add3A_1012 = arith.constant 240 : i32
      %add3A_1013 = vector.broadcast %add3A_1012 : i32 to vector<16xi32>
      %add3A_1014 = arith.addi %add3A_1013, %iota3A : vector<16xi32>
      %gather3A_1015 = arith.constant 1 : i32
      %gather3A_1016 = arith.constant 0 : i32
      %gather3A_1017 = arith.constant 0 : i32
      %gather3A_1018 = tpu.memref_slice %arg10[%gather3A_1015, %gather3A_1016, %gather3A_1017] : memref<2x128x256xf32, #tpu.memory_space<vmem>> -> memref<1x128x256xf32, #tpu.memory_space<vmem>>
      %gather3A_1019 = tpu.memref_squeeze %gather3A_1018 : memref<1x128x256xf32, #tpu.memory_space<vmem>> -> memref<128x256xf32, #tpu.memory_space<vmem>>
      %gather3A_1020 = tpu.vector_load_idx %gather3A_1019[%and3A_1011, %add3A_1014] : memref<128x256xf32, #tpu.memory_space<vmem>>[vector<16xi32>, vector<16xi32>], vector<16xf32>,
      %eq3A_1021 = arith.constant 0 : i32
      %eq3A_1022 = vector.broadcast %eq3A_1021 : i32 to vector<16xi32>
      %eq3A_1023 = arith.cmpi eq, %get3A_1004, %eq3A_1022 : vector<16xi32>
      %get3A_1024 = arith.index_cast %add3A_1002 : i32 to index
      %get3A_1025 = tpu.vector_load %arg8[%get3A_1024] {strides = array<i32>} : memref<3072xf32, #tpu.memory_space<vmem>>, vector<16xf32>,
      %select_n3A_1026 = arith.select %eq3A_1023, %get3A_1025, %gather3A_1020 : vector<16xi1>, vector<16xf32>
      %swap3A_1027 = arith.index_cast %add3A_1002 : i32 to index
      %swap3A_1028 = tpu.vector_load %arg9[%swap3A_1027] {strides = array<i32>} : memref<3072xf32, #tpu.memory_space<vmem>>, vector<16xf32>,
      tpu.vector_store %arg9[%swap3A_1027], %select_n3A_1026 {strides = array<i32>} : memref<3072xf32, #tpu.memory_space<vmem>>, vector<16xf32>,
      %scan3A_1029 = arith.constant 0 : i32
      scf.yield %scan3A_1029 : i32
    }
    %scan3A_23 = arith.constant 6 : i32
    "tpu.region"() ({
      %run_scoped3A = tpu.sem_alloc : memref<!tpu.dma_semaphore, #tpu.memory_space<semaphore_mem>>
      %dma_start3A_24 = tpu.memref_slice %arg6[%mul3A_2] : memref<98304xf32, #tpu.memory_space<hbm>> -> memref<3072xf32, #tpu.memory_space<hbm>>
      %dma_start3A_25 = tpu.memref_slice %arg6[%mul3A_2] : memref<98304xf32, #tpu.memory_space<hbm>> -> memref<3072xf32, #tpu.memory_space<hbm>>
      tpu.enqueue_dma source(%arg9 : memref<3072xf32, #tpu.memory_space<vmem>>) target(%dma_start3A_25 : memref<3072xf32, #tpu.memory_space<hbm>>) target_semaphore(%run_scoped3A : memref<!tpu.dma_semaphore, #tpu.memory_space<semaphore_mem>>)
      %dma_wait3A = tpu.memref_slice %arg6[%mul3A_2] : memref<98304xf32, #tpu.memory_space<hbm>> -> memref<3072xf32, #tpu.memory_space<hbm>>
      %dma_wait3A_26 = tpu.memref_slice %arg6[%mul3A_2] : memref<98304xf32, #tpu.memory_space<hbm>> -> memref<3072xf32, #tpu.memory_space<hbm>>
      tpu.wait_dma2 semaphore(%run_scoped3A : memref<!tpu.dma_semaphore, #tpu.memory_space<semaphore_mem>>) src(%arg9 : memref<3072xf32, #tpu.memory_space<vmem>>) dst(%dma_wait3A_26 : memref<3072xf32, #tpu.memory_space<hbm>>)
      tpu.yield
    }) : () -> ()
    return
  }
}

module attributes {stable_mosaic.version = 14 : i64} {
  func.func @tc_body(%arg0: i32, %arg1: memref<8x128xbf16, #tpu.memory_space<vmem>>, %arg2: memref<128x16384xf32, #tpu.memory_space<vmem>>, %arg3: memref<1x16384xi32, #tpu.memory_space<vmem>>, %arg4: memref<1x16384xf32, #tpu.memory_space<vmem>>, %arg5: memref<1xi32, #tpu.memory_space<smem>>, %arg6: memref<1x16384xf32, #tpu.memory_space<vmem>>) attributes {dimension_semantics = [#tpu.dimension_semantics<arbitrary>], iteration_bounds = array<i64: 10>, scalar_prefetch = 0 : i64, scratch_operands = 0 : i64, tpu.core_type = #tpu.core_type<tc>, window_params = [{pipeline_mode = #tpu.pipeline_mode<synchronous>, transform_indices = @transform_0, window_bounds = array<i64: 8, 128>}, {transform_indices = @transform_1, window_bounds = array<i64: 128, 16384>}, {transform_indices = @transform_2, window_bounds = array<i64: 1, 16384>}, {transform_indices = @transform_3, window_bounds = array<i64: 1, 16384>}, {transform_indices = @transform_4, window_bounds = array<i64: 1>}, {transform_indices = @transform_5, window_bounds = array<i64: 1, 16384>}]} {
    %get3A = arith.constant 0 : index
    %get3A_0 = memref.load %arg5[%get3A] : memref<1xi32, #tpu.memory_space<smem>>
    %get3A_1 = arith.constant 0 : index
    %get3A_2 = arith.constant 0 : index
    %get3A_3 = vector.load %arg3[%get3A_1, %get3A_2] : memref<1x16384xi32, #tpu.memory_space<vmem>>, vector<1x16384xi32>
    %add3A = arith.constant 128 : i32
    %add3A_4 = arith.addi %get3A_0, %add3A : i32
    %sub3A = vector.broadcast %add3A_4 : i32 to vector<1x16384xi32>
    %sub3A_5 = arith.subi %sub3A, %get3A_3 : vector<1x16384xi32>
    %and3A = arith.constant 127 : i32
    %and3A_6 = vector.broadcast %and3A : i32 to vector<1x16384xi32>
    %and3A_7 = arith.andi %sub3A_5, %and3A_6 : vector<1x16384xi32>
    %get3A_8 = arith.constant 0 : index
    %get3A_9 = arith.constant 0 : index
    %get3A_10 = vector.load %arg1[%get3A_8, %get3A_9] : memref<8x128xbf16, #tpu.memory_space<vmem>>, vector<8x128xbf16>
    %get3A_11 = arith.constant 0 : index
    %get3A_12 = arith.constant 0 : index
    %get3A_13 = vector.load %arg2[%get3A_11, %get3A_12] : memref<128x16384xf32, #tpu.memory_space<vmem>>, vector<128x16384xf32>
    %convert_element_type3A = arith.truncf %get3A_13 : vector<128x16384xf32> to vector<128x16384xbf16>
    %dot_general3A = arith.constant dense<0.000000e+00> : vector<8x16384xf32>
    %dot_general3A_14 = tpu.matmul %get3A_10, %convert_element_type3A, %dot_general3A {dimension_numbers = #tpu.dot_dimension_numbers<[1], [0], [0], [1], [0, 0, 1, 1], [], []>, transpose_lhs_hint = false} : vector<8x128xbf16>, vector<128x16384xbf16>, vector<8x16384xf32> -> vector<8x16384xf32>
    %shift_right_arithmetic3A = arith.constant 4 : i32
    %shift_right_arithmetic3A_15 = vector.broadcast %shift_right_arithmetic3A : i32 to vector<1x16384xi32>
    %shift_right_arithmetic3A_16 = arith.shrsi %and3A_7, %shift_right_arithmetic3A_15 : vector<1x16384xi32>
    %iota3A = tpu.iota {dimensions = array<i32: 0>} : vector<8x16384xi32>
    %eq3A = vector.broadcast %shift_right_arithmetic3A_16 : vector<1x16384xi32> to vector<8x16384xi32>
    %eq3A_17 = arith.cmpi eq, %iota3A, %eq3A : vector<8x16384xi32>
    %jit3A = arith.constant 0.000000e+00 : f32
    %broadcast_in_dim3A = vector.broadcast %jit3A : f32 to vector<8x16384xf32>
    %select_n3A = arith.select %eq3A_17, %dot_general3A_14, %broadcast_in_dim3A : vector<8x16384xi1>, vector<8x16384xf32>
    %reduce_sum3A = arith.constant dense<0.000000e+00> : vector<16384xf32>
    %reduce_sum3A_18 = vector.multi_reduction <add>, %select_n3A, %reduce_sum3A [0] : vector<8x16384xf32> to vector<16384xf32>
    %broadcast_in_dim3A_19 = vector.shape_cast %reduce_sum3A_18 : vector<16384xf32> to vector<1x16384xf32>
    %convert_element_type3A_20 = arith.fptosi %broadcast_in_dim3A_19 : vector<1x16384xf32> to vector<1x16384xi32>
    %and3A_21 = arith.constant 15 : i32
    %and3A_22 = vector.broadcast %and3A_21 : i32 to vector<1x16384xi32>
    %and3A_23 = arith.andi %and3A_7, %and3A_22 : vector<1x16384xi32>
    %shift_right_arithmetic3A_24 = arith.shrsi %convert_element_type3A_20, %and3A_23 : vector<1x16384xi32>
    %and3A_25 = arith.constant 1 : i32
    %and3A_26 = vector.broadcast %and3A_25 : i32 to vector<1x16384xi32>
    %and3A_27 = arith.andi %shift_right_arithmetic3A_24, %and3A_26 : vector<1x16384xi32>
    %eq3A_28 = arith.constant 0 : i32
    %eq3A_29 = vector.broadcast %eq3A_28 : i32 to vector<1x16384xi32>
    %eq3A_30 = arith.cmpi eq, %get3A_3, %eq3A_29 : vector<1x16384xi32>
    %get3A_31 = arith.constant 0 : index
    %get3A_32 = arith.constant 0 : index
    %get3A_33 = vector.load %arg4[%get3A_31, %get3A_32] : memref<1x16384xf32, #tpu.memory_space<vmem>>, vector<1x16384xf32>
    %convert_element_type3A_34 = arith.sitofp %and3A_27 : vector<1x16384xi32> to vector<1x16384xf32>
    %select_n3A_35 = arith.select %eq3A_30, %get3A_33, %convert_element_type3A_34 : vector<1x16384xi1>, vector<1x16384xf32>
    %swap3A = arith.constant 0 : index
    %swap3A_36 = arith.constant 0 : index
    %swap3A_37 = vector.load %arg6[%swap3A, %swap3A_36] : memref<1x16384xf32, #tpu.memory_space<vmem>>, vector<1x16384xf32>
    tpu.vector_store %arg6[%swap3A, %swap3A_36], %select_n3A_35 {strides = array<i32>} : memref<1x16384xf32, #tpu.memory_space<vmem>>, vector<1x16384xf32>,
    return
  }
  func.func @transform_0(%arg0: i32) -> (i32, i32) {
    %c0_i32 = arith.constant 0 : i32
    %c0_i32_0 = arith.constant 0 : i32
    %c0_i32_1 = arith.constant 0 : i32
    return %c0_i32, %c0_i32_0 : i32, i32
  }
  func.func @transform_1(%arg0: i32) -> (i32, i32) {
    %add3A = arith.constant 6 : i32
    %add3A_0 = arith.addi %add3A, %arg0 : i32
    %c0_i32 = arith.constant 0 : i32
    %c0_i32_1 = arith.constant 0 : i32
    return %c0_i32, %add3A_0 : i32, i32
  }
  func.func @transform_2(%arg0: i32) -> (i32, i32) {
    %add3A = arith.constant 6 : i32
    %add3A_0 = arith.addi %add3A, %arg0 : i32
    %c0_i32 = arith.constant 0 : i32
    %c0_i32_1 = arith.constant 0 : i32
    return %c0_i32, %add3A_0 : i32, i32
  }
  func.func @transform_3(%arg0: i32) -> (i32, i32) {
    %add3A = arith.constant 6 : i32
    %add3A_0 = arith.addi %add3A, %arg0 : i32
    %c0_i32 = arith.constant 0 : i32
    %c0_i32_1 = arith.constant 0 : i32
    return %c0_i32, %add3A_0 : i32, i32
  }
  func.func @transform_4(%arg0: i32) -> i32 {
    %c0_i32 = arith.constant 0 : i32
    %c0_i32_0 = arith.constant 0 : i32
    return %c0_i32 : i32
  }
  func.func @transform_5(%arg0: i32) -> (i32, i32) {
    %c0_i32 = arith.constant 0 : i32
    %c0_i32_0 = arith.constant 0 : i32
    return %c0_i32, %arg0 : i32, i32
  }
}

</mosaic_0001>

<sc_bundles>
// kernel: kernel.4.cloned.1.call-start
scs
__scs_entry_jumppad:
0x0: {  	(pc) =	sbr.rel $0x88, $3  }
0x1: {  	(tag) =	ssettag $0x0;
	lr =	simm.s32 $0x1  }
0x2: {  	[smem:$0x3F9D] =	sst lr;
	_ =	strace $0xD0000000  }
0x3: {  	_ = 	snop  }
0x4: {  	_ = 	snop  }
0x5: {  	_ = 	snop  }
0x6: {  	_ = 	snop  }
0x7: {  	_ = 	snop  }
__scs_overlays_trampoline_lowered:
0x8: {  	[smem:$0x3FAC] =	sst s0  }
0x9: {  	[smem:$0x3FAD] =	sst s1  }
0xa: {  	[smem:$0x3FAE] =	sst s2  }
0xb: {  	[smem:$0x3FAF] =	sst s3  }
0xc: {  	[smem:$0x3FB0] =	sst s4  }
0xd: {  	[smem:$0x3FB1] =	sst s5  }
0xe: {  	[smem:$0x3FB2] =	sst s6  }
0xf: {  	[smem:$0x3FB3] =	sst s7  }
0x10: {  	[smem:$0x3FB4] =	sst s8  }
0x11: {  	[smem:$0x3FB5] =	sst s9;
	s0 =	simm.s32 @!p0 $0x0  }
0x12: {  	s1 =	sld [smem:$0x3F9B];
	s0 =	simm.s32 @p0 $0x1  }
0x13: {  	[smem:$0x3FB6] =	sst s0;
	s0 =	simm.s32 @!p1 $0x0  }
0x14: {  	s2 =	sld [smem:$0x3F9A];
	s0 =	simm.s32 @p1 $0x1  }
0x15: {  	[smem:$0x3FB7] =	sst s0;
	s0 =	simm.s32 @!p2 $0x0  }
0x16: {  	s3 =	sld [smem:$0x3FDB];
	s0 =	simm.s32 @p2 $0x1  }
0x17: {  	s4 =	simm.s32 $0x1BF5;
	[smem:$0x3FB9] =	sst s0  }
0x18: {  	s0 =	sld [smem:$0x3F9C];
	_ =	swait.ge [sflag:s4], $0x0  }
0x19: {  	s7 =	sld [smem:$0x3F9D]  }
0x1a: {  	s8 =	sadd.s32 $0xFFFFE003, lr  }
0x1b: {  	s9 =	sadd.s32 $0xFFFFFEF7, lr;
	s5 =	simm.s32 $0xFFFFFFFF;
	p2 =	slt.u32 s8, $0xFFFFF086  }
0x1c: {  	p1 =	slt.u32 s9, $0xF7A;
	s5 =	simm.s32 @!p2 $0x0  }
0x1d: {  	s5 =	simm.s32 @p1 $0x1;
	p0 =	seq.s32 s7, s2  }
0x1e: {  	s7 =	smul.u32 @!p0 $0xF7A, s2;
	p2 =	seq.s32 @!p0 s5, $0x0  }
0x1f: {  	s9 =	smul.u32 $0xF7A, s1;
	s8 =	simm.s32 @!p0 $0x1BF5;
	p2 =	por !p2, p0  }
0x20: {  	[sflag:s8] =	ssyncset.s32 @!p0 $0xFFFFF086;
	s6 =	sadd.s32 @!p0 s3, s7;
	s7 =	simm.s32 @!p0 $0x108  }
0x21: {  	s3 =	sadd.s32 s3, s9;
	s6 =	sadd.s32 @!p0 $0x88, s6;
	s7 =	simm.s32 @p2 $0x1082  }
0x22: {  	[simem:s7], [sflag:s8] =	dma.local @!p0 [hbm:s6], $0xF7A  }
0x23: {  	s9 =	sor.u32 $0xD0000000, s2;
	s6 =	simm.s32 $0x108;
	_ =	swait.ge @!p0 [sflag:s8], $0x0  }
0x24: {  	s3 =	sadd.s32 $0x88, s3;
	s6 =	simm.s32 @!p1 $0x1082;
	[sflag:s4] =	ssyncset.s32 $0xFFFFF086  }
0x25: {  	[simem:s6], [sflag:s4] =	dma.local [hbm:s3], $0xF7A  }
0x26: {  	[smem:$0x3F9D] =	sst s1;
	(tag) =	ssettag s2;
	_ =	strace s9  }
0x27: {  	s1 =	sld [smem:$0x3FAD]  }
0x28: {  	s2 =	sld [smem:$0x3FAE]  }
0x29: {  	s4 =	sld [smem:$0x3FB0]  }
0x2a: {  	p0 =	seq.s32 s5, $0x0;
	s5 =	sld [smem:$0x3FB1]  }
0x2b: {  	s6 =	sld [smem:$0x3FB2]  }
0x2c: {  	s7 =	sld [smem:$0x3FB3]  }
0x2d: {  	s3 =	simm.s32 $0x108;
	s8 =	sld [smem:$0x3FB4]  }
0x2e: {  	s3 =	simm.s32 @!p0 $0x1082;
	s9 =	sld [smem:$0x3FB5]  }
0x2f: {  	lr =	sadd.s32 s0, s3;
	s0 =	sld [smem:$0x3FAC]  }
0x30: {  	s3 =	sld [smem:$0x3FAF]  }
0x31: {  	[smem:$0x3FB8] =	sst s10  }
0x32: {  	s10 =	sld [smem:$0x3FB6];
	_ =	sdelay $0x3  }
0x33: {  	p0 =	seq.s32 s10, $0x1;
	s10 =	sld [smem:$0x3FB8];
	_ =	sdelay $0x3  }
0x34: {  	[smem:$0x3FB8] =	sst s10  }
0x35: {  	s10 =	sld [smem:$0x3FB7];
	_ =	sdelay $0x3  }
0x36: {  	p1 =	seq.s32 s10, $0x1;
	s10 =	sld [smem:$0x3FB8];
	_ =	sdelay $0x3  }
0x37: {  	[smem:$0x3FB8] =	sst s10  }
0x38: {  	s10 =	sld [smem:$0x3FB9]  }
0x39: {  	_ = 	snop;
	(pc) =	sbr.ind lr, $3  }
0x3a: {  	_ = 	snop  }
0x3b: {  	_ = 	snop  }
0x3c: {  	p2 =	seq.s32 s10, $0x1;
	s10 =	sld [smem:$0x3FB8]  }
0x3d: {  	_ =	shalt  }
0x3e: {  	_ =	shalt  }
0x3f: {  	_ =	shalt  }
0x40: {  	_ =	shalt  }
0x41: {  	_ =	shalt  }
0x42: {  	_ =	shalt  }
0x43: {  	_ =	shalt  }
0x44: {  	_ =	shalt  }
0x45: {  	_ =	shalt  }
0x46: {  	_ =	shalt  }
0x47: {  	_ =	shalt  }
0x48: {  	_ =	shalt  }
0x49: {  	_ =	shalt  }
0x4a: {  	_ =	shalt  }
0x4b: {  	_ =	shalt  }
0x4c: {  	_ =	shalt  }
0x4d: {  	_ =	shalt  }
0x4e: {  	_ =	shalt  }
0x4f: {  	_ =	shalt  }
0x50: {  	_ =	shalt  }
0x51: {  	_ =	shalt  }
0x52: {  	_ =	shalt  }
0x53: {  	_ =	shalt  }
0x54: {  	_ =	shalt  }
0x55: {  	_ =	shalt  }
0x56: {  	_ =	shalt  }
0x57: {  	_ =	shalt  }
0x58: {  	_ =	shalt  }
0x59: {  	_ =	shalt  }
0x5a: {  	_ =	shalt  }
0x5b: {  	_ =	shalt  }
0x5c: {  	_ =	shalt  }
0x5d: {  	_ =	shalt  }
0x5e: {  	_ =	shalt  }
0x5f: {  	_ =	shalt  }
0x60: {  	_ =	shalt  }
0x61: {  	_ =	shalt  }
0x62: {  	_ =	shalt  }
0x63: {  	_ =	shalt  }
0x64: {  	_ =	shalt  }
0x65: {  	_ =	shalt  }
0x66: {  	_ =	shalt  }
0x67: {  	_ =	shalt  }
0x68: {  	_ =	shalt  }
0x69: {  	_ =	shalt  }
0x6a: {  	_ =	shalt  }
0x6b: {  	_ =	shalt  }
0x6c: {  	_ =	shalt  }
0x6d: {  	_ =	shalt  }
0x6e: {  	_ =	shalt  }
0x6f: {  	_ =	shalt  }
0x70: {  	_ =	shalt  }
0x71: {  	_ =	shalt  }
0x72: {  	_ =	shalt  }
0x73: {  	_ =	shalt  }
0x74: {  	_ =	shalt  }
0x75: {  	_ =	shalt  }
0x76: {  	_ =	shalt  }
0x77: {  	_ =	shalt  }
0x78: {  	_ =	shalt  }
0x79: {  	_ =	shalt  }
0x7a: {  	_ =	shalt  }
0x7b: {  	_ =	shalt  }
0x7c: {  	_ =	shalt  }
0x7d: {  	_ =	shalt  }
0x7e: {  	_ =	shalt  }
0x7f: {  	_ =	shalt  }
0x80: {  	_ =	shalt  }
0x81: {  	_ =	shalt  }
0x82: {  	_ =	shalt  }
0x83: {  	_ =	shalt  }
0x84: {  	_ =	shalt  }
0x85: {  	_ =	shalt  }
0x86: {  	_ =	shalt  }
0x87: {  	_ =	shalt  }
.Lfunc_end0:
.L_simem_size_0:
called_computation_lowered:
.L_overlay_start_0:
0x88: {  	s2 =	sld [smem:$0x3FD9]  }
0x89: {  	s3 =	sld [smem:$0x3FFE];
	_ =	sdelay $0x1  }
0x8a: {  	s1 =	srdreg.scid  }
0x8b: {  	s0 =	sand.u32 $0x1, s1  }
0x8c: {  	s17 =	sshll.u32 s0, $0xA;
	s2 =	sadd.s32 s3, s2  }
0x8d: {  	s2 =	sadd.s32 s2, s17  }
0x8e: {  	[smem:$0x3FC4] =	sst s2  }
0x8f: {  	_ = 	snop  }
0x90: {  	s2 =	sld [smem:$0x3FC9]  }
0x91: {  	s18 =	sld [smem:$0x3FC8]  }
0x92: {  	s4 =	sld [smem:$0x3FC7];
	(tm) =	ssettm $0x1  }
0x93: {  	s5 =	sld [smem:$0x3FFB];
	_ =	sdelay $0x3  }
0x94: {  	_ =	strace s5  }
0x95: {  	s5 =	sld [smem:$0x3FFC];
	_ =	sdelay $0x3  }
0x96: {  	_ =	strace s5  }
0x97: {  	s5 =	sld [smem:$0x3FFD];
	_ =	sdelay $0x3  }
0x98: {  	_ =	strace s5  }
0x99: {  	_ =	strace $0x8FFFFFFF  }
0x9a: {  	s19 =	sld [smem:$0x3FDB];
	_ =	sdelay $0x1  }
0x9b: {  	s6 =	simm.s32 $_scs_section_size  }
0x9c: {  	s7 =	simm.s32 $_size__tile_overlayer_lowered;
	s8 =	simm.s32 $_tile_overlayer_lowered  }
0x9d: {  	s22 =	simm.s32 $0x1BFF;
	s21 =	sshll.u32 s8, $0x1;
	s5 =	sadd.s32 s6, s19  }
0x9e: {  	s9 =	simm.s32 $0x0;
	s20 =	sshll.u32 s7, $0x1;
	s7 =	sadd.s32 s21, s5  }
0x9f: {  	[timem:s9], [sflag:s22] =	dma.local [hbm:s7], s20  }
0xa0: {  	_ =	swait.ge [sflag:s22], s20  }
0xa1: {  	s6 =	ssub.s32 $0x0, s20;
	[sflag:s22] =	ssyncset.done $0x0  }
0xa2: {  	[sflag:s22] =	ssyncadd.s32 s6;
	_ =	sdelay $0x1  }
0xa3: {  	s23 =	simm.s32 $0x1B8B  }
0xa4: {  	_ =	swait.ge [sflag:s23], $0x1  }
0xa5: {  	[sflag:s23] =	ssyncset.done $0x0  }
0xa6: {  	s25 =	simm.s32 $0x1B8E;
	s24 =	sld [smem:$0x3FFE];
	[sflag:s23] =	ssyncadd.s32 $0xFFFFFFFF  }
0xa7: {  	s26 =	simm.s32 $execute0_lowered;
	[smem:$0x3FD2] =	sst s25  }
0xa8: {  	s7 =	sshll.u32 s26, $0x1;
	_ =	strace $0x80000046;
	[dreg:$0x1] =	wrdreg $0xFFFFFFFF  }
0xa9: {  	s28 =	simm.s32 $_size_execute0_lowered;
	s5 =	sadd.s32 s5, s7;
	[dreg:$0x0] =	wrdreg $0x0  }
0xaa: {  	s7 =	sshll.u32 s28, $0x1;
	[dreg:$0x2] =	wrdreg s5  }
0xab: {  	[dreg:$0x3] =	wrdreg s7  }
0xac: {  	[dreg:$0x4] =	wrdreg $0xC0  }
0xad: {  	_ =	task [dreg:s9], $0x5FFFF  }
0xae: {  	[dreg:$0x1] =	wrdreg $0xFFFFFFFF  }
0xaf: {  	[dreg:$0x0] =	wrdreg $0x60  }
0xb0: {  	[dreg:$0x2] =	wrdreg s2  }
0xb1: {  	[dreg:$0x3] =	wrdreg s18  }
0xb2: {  	[dreg:$0x4] =	wrdreg s4  }
0xb3: {  	[dreg:$0x5] =	wrdreg s24  }
0xb4: {  	[dreg:$0x6] =	wrdreg $0x9  }
0xb5: {  	_ =	task.clear_ibuf [dreg:s9], $0x7FFFF;
	_ =	strace $0x90000046  }
0xb6: {  	s29 =	simm.s32 $0x9;
	_ =	strace $0x80000048  }
0xb7: {  	_ =	swait.ge [sflag:s29], $0x1  }
0xb8: {  	[sflag:s29] =	ssyncadd.s32 $0xFFFFFFFF  }
0xb9: {  	_ =	strace $0x90000048  }
0xba: {  	_ =	sfence  }
0xbb: {  	s30 =	sld [smem:$0x0];
	_ =	sdelay $0x2  }
0xbc: {  	s31 =	sshll.u32 s1, $0xD;
	s1 =	sshrl.u32 s1, $0x2  }
0xbd: {  	s3 =	sand.u32 $0x4000, s31;
	s1 =	sadd.s32 s1, s30  }
0xbe: {  	s0 =	sor.u32 s3, s0;
	s1 =	sshll.u32 s1, $0x11  }
0xbf: {  	s0 =	sor.u32 s1, s0  }
0xc0: {  	s0 =	sadd.s32 $0x8F2B, s0  }
0xc1: {  	[sflag:s0] =	ssyncadd.remote.s32 $0x1  }
0xc2: {  	_ =	sfence.sel $0xFFFF  }
0xc3: {  	[dreg:$0x0] =	wrdreg $0xFFFFFFFF;
	(pc) =	sbr.abs _section_cstart, $3  }
0xc4: {  	[dreg:$0x1] =	wrdreg $0xFFFFFFFF  }
0xc5: {  	_ =	task.clear_ibuf [dreg:s9], $0x2FFFF;
	_ =	strace $0x9FFFFFFF  }
0xc6: {  	(tm) =	ssettm $0x7FFFFFFF  }
0xc7: {  	_ =	shalt  }
tec
execute0_lowered:
.L_overlay_start_1:
0x0: {  	(tag) =	ssettag $0x1  }
0x1: {  	s9 =	rddreg [dreg:$0x0]  }
0x2: {  	s5 =	rddreg [dreg:$0x1]  }
0x3: {  	s4 =	rddreg [dreg:$0x2]  }
0x4: {  	s6 =	rddreg [dreg:$0x3]  }
0x5: {  	s0 =	rddreg [dreg:$0x4]  }
0x6: {  	s3 =	srdreg.scid;
	s1 =	stileid.u32;
	s2 =	simm.s32 $0x0  }
0x7: {  	s16 =	simm.s32 $0x2400;
	s17 =	simm.s32 $0xA400;
	s18 =	simm.s32 $0x1  }
0x8: {  	s19 =	simm.s32 $0x2;
	s20 =	simm.s32 $0x1800;
	s11 =	smul.u32 $0xC000, s1  }
0x9: {  	s21 =	simm.s32 $0x0;
	s7 =	sand.u32 $0x1, s3;
	s26 =	smul.u32 $0x1800, s1  }
0xa: {  	s25 =	sshll.u32 s1, $0x1;
	[smem:$0x7FF] =	sst s2;
	s14 =	smul.u32 $0x6000, s7  }
0xb: {  	s3 =	sor.u32 s7, s25;
	s10 =	ssub.s32 $0x2, s7;
	s29 =	smul.u32 $0xC00, s7  }
0xc: {  	_ =	strace $0x80000047;
	s8 =	smul.u32 $0xC00, s3;
	s13 =	sshrl.u32 s10, $0x1  }
0xd: {  	s3 =	sadd.s32 $0xA00, s6;
	s10 =	ssub.s32 s10, s13;
	s11 =	sadd.s32 s14, s11  }
0xe: {  	v0 =	vlaneseq.u32;
	s13 =	simm.s32 $0x12400;
	s14 =	simm.s32 $0x800;
	s12 =	sshrl.u32 s8, $0x3  }
0xf: {  	v1 =	vor.u32 $0x10, v0;
	v2 =	vor.u32 $0x20, v0;
	v3 =	vor.u32 $0x30, v0;
	s28 =	sor.u32 $0x1000, s11;
	s11 =	simm.s32 $0x3;
	s15 =	sadd.s32 s12, s6  }
0x10: {  	v4 =	vor.u32 $0x40, v0;
	v5 =	vor.u32 $0x50, v0;
	v6 =	vor.u32 $0x60, v0;
	s4 =	sadd.s32 s4, s12;
	s5 =	sadd.s32 s5, s12;
	s6 =	sadd.s32 s9, s8  }
0x11: {  	v7 =	vor.u32 $0x70, v0;
	v8 =	vor.u32 $0x400, v0;
	v9 =	vor.u32 $0x410, v0;
	s30 =	sshrl.u32 s28, $0x3;
	s12 =	sadd.s32 s26, s9;
	s8 =	smax.u32 s10, $0x1  }
0x12: {  	v10 =	vor.u32 $0x420, v0;
	v11 =	vor.u32 $0x430, v0;
	v12 =	vor.u32 $0x440, v0;
	s7 =	sadd.s32 $0xC00, s15;
	s9 =	sadd.s32 s30, s9;
	s31 =	sadd.s32 s29, s12  }
0x13: {  	v13 =	vor.u32 $0x450, v0;
	v14 =	vor.u32 $0x460, v0;
	v15 =	vor.u32 $0x470, v0;
	s12 =	simm.s32 $0xC00;
	s15 =	simm.s32 $0x200000;
	s10 =	sadd.s32 $0x100, s31  }
.LBB2_1:
0x14: {  	[tilespmem:s2], [sflag:$0x3] =	stream.linear.gather [hbm4b:s4+s2], $0xC00, $0x38;
	[tilespmem:$0x12480] =	vst v63  }
0x15: {  	_ =	swait.ge [sflag:s11], $0xC00  }
0x16: {  	[sflag:s11] =	ssyncset.done $0x0  }
0x17: {  	[sflag:s11] =	ssyncadd.s32 $0xFFFFF400  }
0x18: {  	[tilespmem:s12], [sflag:$0x3] =	stream.linear.gather [hbm4b:s5+s2], $0xC00, $0x38;
	[tilespmem:$0x12480] =	vst v63  }
0x19: {  	_ =	swait.ge [sflag:s11], $0xC00  }
0x1a: {  	[sflag:s11] =	ssyncset.done $0x0  }
0x1b: {  	[sflag:s11] =	ssyncadd.s32 $0xFFFFF400  }
0x1c: {  	[tilespmem:s13], [sflag:$0x3] =	stream.linear.gather [hbm4b:s3+s2], $0x80, $0x38;
	[tilespmem:$0x12480] =	vst v63  }
0x1d: {  	_ =	swait.ge [sflag:s11], $0x80  }
0x1e: {  	s22 =	smov.u32 s10;
	[sflag:s11] =	ssyncset.done $0x0  }
0x1f: {  	s23 =	simm.s32 $0x0;
	s24 =	smov.u32 s9;
	[sflag:s11] =	ssyncadd.s32 $0xFFFFFF80  }
0x20: {  	v16 =	vld [tilespmem:$0x12400];
	[tilespmem:s16], [sflag:$0x1] =	stream.strided.gather [hbm4b:s6+s14], $0x8000, s15, s14, $0x38  }
.LBB2_2:
0x21: {  	[tilespmem:s17], [sflag:$0x2] =	stream.strided.gather [hbm4b:s22+s14], $0x8000, s15, s14, $0x38;
	[tilespmem:$0x12480] =	vst v63  }
0x22: {  	_ =	swait.ge [sflag:s18], $0x8000  }
0x23: {  	[sflag:s18] =	ssyncset.done $0x0  }
0x24: {  	s25 =	sshra.s32 s23, $0x2;
	[sflag:s18] =	ssyncadd.s32 $0xFFFF8000  }
0x25: {  	v17 =	vld [tilespmem:s25+$0x0];
	_ =	sdelay $0x4  }
0x26: {  	v18 =	vsub.s32 v16, v17  }
0x27: {  	v19 =	vshll.u32 v18, $0x8;
	v18 =	vshll.u32 v18, $0x7  }
0x28: {  	v19 =	vand.u32 $0x7800, v19;
	v18 =	vand.u32 $0x380, v18  }
0x29: {  	v18 =	vor.u32 v19, v18;
	v19 =	vld [tilespmem:s25+$0x10];
	_ =	sdelay $0x1  }
0x2a: {  	v18 =	vor.u32 v0, v18;
	_ =	sdelay $0x2  }
0x2b: {  	v20 =	vsub.s32 v16, v19  }
0x2c: {  	v22 =	vld [tilespmem:s25+$0xC00];
	v21 =	vshll.u32 v20, $0x8;
	v20 =	vshll.u32 v20, $0x7  }
0x2d: {  	v18 =	vld.idx.msk [tilespmem:v18+s16+$0x0], $0xffff;
	v21 =	vand.u32 $0x7800, v21;
	v20 =	vand.u32 $0x380, v20  }
0x2e: {  	v35 =	vld [tilespmem:s25+$0x20];
	v20 =	vor.u32 v21, v20  }
0x2f: {  	v20 =	vor.u32 v1, v20;
	_ =	sdelay $0x1  }
0x30: {  	vm0 =	veq.s32 v17, $0x0  }
0x31: {  	v17 =	vsel vm0, v22, v18  }
0x32: {  	v37 =	vld [tilespmem:s25+$0xC10];
	[tilespmem:s25+$0x1800] =	vst v17;
	v17 =	vsub.s32 v16, v35  }
0x33: {  	v36 =	vshll.u32 v17, $0x8;
	v17 =	vshll.u32 v17, $0x7;
	v18 =	vld.idx.msk [tilespmem:v20+s16+$0x0], $0xffff  }
0x34: {  	v38 =	vld [tilespmem:s25+$0x30];
	v20 =	vand.u32 $0x7800, v36;
	v17 =	vand.u32 $0x380, v17  }
0x35: {  	v17 =	vor.u32 v20, v17  }
0x36: {  	v17 =	vor.u32 v2, v17  }
0x37: {  	vm9 =	veq.s32 v19, $0x0  }
0x38: {  	v18 =	vsel vm9, v37, v18  }
0x39: {  	[tilespmem:s25+$0x1810] =	vst v18;
	v18 =	vsub.s32 v16, v38  }
0x3a: {  	v39 =	vld [tilespmem:s25+$0xC20];
	v19 =	vshll.u32 v18, $0x8;
	v18 =	vshll.u32 v18, $0x7  }
0x3b: {  	v17 =	vld.idx.msk [tilespmem:v17+s16+$0x0], $0xffff;
	v19 =	vand.u32 $0x7800, v19;
	v18 =	vand.u32 $0x380, v18  }
0x3c: {  	v18 =	vor.u32 v19, v18;
	v19 =	vld [tilespmem:s25+$0x40];
	_ =	sdelay $0x1  }
0x3d: {  	v18 =	vor.u32 v3, v18  }
0x3e: {  	vm10 =	veq.s32 v35, $0x0  }
0x3f: {  	v17 =	vsel vm10, v39, v17  }
0x40: {  	[tilespmem:s25+$0x1820] =	vst v17;
	v17 =	vsub.s32 v16, v19  }
0x41: {  	v41 =	vld [tilespmem:s25+$0xC30];
	v40 =	vshll.u32 v17, $0x8;
	v17 =	vshll.u32 v17, $0x7  }
0x42: {  	v18 =	vld.idx.msk [tilespmem:v18+s16+$0x0], $0xffff;
	v21 =	vand.u32 $0x7800, v40;
	v17 =	vand.u32 $0x380, v17  }
0x43: {  	v42 =	vld [tilespmem:s25+$0x50];
	v17 =	vor.u32 v21, v17  }
0x44: {  	v17 =	vor.u32 v4, v17;
	_ =	sdelay $0x1  }
0x45: {  	vm11 =	veq.s32 v38, $0x0  }
0x46: {  	v18 =	vsel vm11, v41, v18  }
0x47: {  	v44 =	vld [tilespmem:s25+$0xC40];
	[tilespmem:s25+$0x1830] =	vst v18;
	v18 =	vsub.s32 v16, v42  }
0x48: {  	v43 =	vshll.u32 v18, $0x8;
	v18 =	vshll.u32 v18, $0x7;
	v17 =	vld.idx.msk [tilespmem:v17+s16+$0x0], $0xffff  }
0x49: {  	v45 =	vld [tilespmem:s25+$0x60];
	v20 =	vand.u32 $0x7800, v43;
	v18 =	vand.u32 $0x380, v18  }
0x4a: {  	v18 =	vor.u32 v20, v18  }
0x4b: {  	v18 =	vor.u32 v5, v18  }
0x4c: {  	vm12 =	veq.s32 v19, $0x0  }
0x4d: {  	v17 =	vsel vm12, v44, v17  }
0x4e: {  	[tilespmem:s25+$0x1840] =	vst v17;
	v17 =	vsub.s32 v16, v45  }
0x4f: {  	v46 =	vld [tilespmem:s25+$0xC50];
	v19 =	vshll.u32 v17, $0x8;
	v17 =	vshll.u32 v17, $0x7  }
0x50: {  	v18 =	vld.idx.msk [tilespmem:v18+s16+$0x0], $0xffff;
	v19 =	vand.u32 $0x7800, v19;
	v17 =	vand.u32 $0x380, v17  }
0x51: {  	v17 =	vor.u32 v19, v17;
	v19 =	vld [tilespmem:s25+$0x70];
	_ =	sdelay $0x1  }
0x52: {  	v17 =	vor.u32 v6, v17  }
0x53: {  	vm13 =	veq.s32 v42, $0x0  }
0x54: {  	v18 =	vsel vm13, v46, v18  }
0x55: {  	[tilespmem:s25+$0x1850] =	vst v18;
	v18 =	vsub.s32 v16, v19  }
0x56: {  	v48 =	vld [tilespmem:s25+$0xC60];
	v47 =	vshll.u32 v18, $0x8;
	v18 =	vshll.u32 v18, $0x7  }
0x57: {  	v17 =	vld.idx.msk [tilespmem:v17+s16+$0x0], $0xffff;
	v21 =	vand.u32 $0x7800, v47;
	v18 =	vand.u32 $0x380, v18  }
0x58: {  	v49 =	vld [tilespmem:s25+$0x80];
	v18 =	vor.u32 v21, v18  }
0x59: {  	v18 =	vor.u32 v7, v18;
	_ =	sdelay $0x1  }
0x5a: {  	vm14 =	veq.s32 v45, $0x0  }
0x5b: {  	v17 =	vsel vm14, v48, v17  }
0x5c: {  	v51 =	vld [tilespmem:s25+$0xC70];
	[tilespmem:s25+$0x1860] =	vst v17;
	v17 =	vsub.s32 v16, v49  }
0x5d: {  	v50 =	vshll.u32 v17, $0x8;
	v17 =	vshll.u32 v17, $0x7;
	v18 =	vld.idx.msk [tilespmem:v18+s16+$0x0], $0xffff  }
0x5e: {  	v52 =	vld [tilespmem:s25+$0x90];
	v20 =	vand.u32 $0x7800, v50;
	v17 =	vand.u32 $0x380, v17  }
0x5f: {  	v17 =	vor.u32 v17, v20  }
0x60: {  	v17 =	vor.u32 v8, v17  }
0x61: {  	vm15 =	veq.s32 v19, $0x0  }
0x62: {  	v18 =	vsel vm15, v51, v18  }
0x63: {  	[tilespmem:s25+$0x1870] =	vst v18;
	v18 =	vsub.s32 v16, v52  }
0x64: {  	v53 =	vld [tilespmem:s25+$0xC80];
	v19 =	vshll.u32 v18, $0x8;
	v18 =	vshll.u32 v18, $0x7  }
0x65: {  	v17 =	vld.idx.msk [tilespmem:v17+s16+$0x0], $0xffff;
	v19 =	vand.u32 $0x7800, v19;
	v18 =	vand.u32 $0x380, v18  }
0x66: {  	v18 =	vor.u32 v18, v19;
	v19 =	vld [tilespmem:s25+$0xA0];
	_ =	sdelay $0x1  }
0x67: {  	v18 =	vor.u32 v9, v18  }
0x68: {  	vm4 =	veq.s32 v49, $0x0  }
0x69: {  	v17 =	vsel vm4, v53, v17  }
0x6a: {  	[tilespmem:s25+$0x1880] =	vst v17;
	v17 =	vsub.s32 v16, v19  }
0x6b: {  	v55 =	vld [tilespmem:s25+$0xC90];
	v54 =	vshll.u32 v17, $0x8;
	v17 =	vshll.u32 v17, $0x7  }
0x6c: {  	v18 =	vld.idx.msk [tilespmem:v18+s16+$0x0], $0xffff;
	v21 =	vand.u32 $0x7800, v54;
	v17 =	vand.u32 $0x380, v17  }
0x6d: {  	v56 =	vld [tilespmem:s25+$0xB0];
	v17 =	vor.u32 v17, v21  }
0x6e: {  	v17 =	vor.u32 v10, v17;
	_ =	sdelay $0x1  }
0x6f: {  	vm5 =	veq.s32 v52, $0x0  }
0x70: {  	v18 =	vsel vm5, v55, v18  }
0x71: {  	v58 =	vld [tilespmem:s25+$0xCA0];
	[tilespmem:s25+$0x1890] =	vst v18;
	v18 =	vsub.s32 v16, v56  }
0x72: {  	v57 =	vshll.u32 v18, $0x8;
	v18 =	vshll.u32 v18, $0x7;
	v17 =	vld.idx.msk [tilespmem:v17+s16+$0x0], $0xffff  }
0x73: {  	v59 =	vld [tilespmem:s25+$0xC0];
	v20 =	vand.u32 $0x7800, v57;
	v18 =	vand.u32 $0x380, v18  }
0x74: {  	v18 =	vor.u32 v18, v20  }
0x75: {  	v18 =	vor.u32 v11, v18  }
0x76: {  	vm6 =	veq.s32 v19, $0x0  }
0x77: {  	v17 =	vsel vm6, v58, v17  }
0x78: {  	[tilespmem:s25+$0x18A0] =	vst v17;
	v17 =	vsub.s32 v16, v59  }
0x79: {  	v60 =	vld [tilespmem:s25+$0xCB0];
	v19 =	vshll.u32 v17, $0x8;
	v17 =	vshll.u32 v17, $0x7  }
0x7a: {  	v18 =	vld.idx.msk [tilespmem:v18+s16+$0x0], $0xffff;
	v19 =	vand.u32 $0x7800, v19;
	v17 =	vand.u32 $0x380, v17  }
0x7b: {  	v17 =	vor.u32 v17, v19;
	v19 =	vld [tilespmem:s25+$0xD0];
	_ =	sdelay $0x1  }
0x7c: {  	v17 =	vor.u32 v12, v17  }
0x7d: {  	vm7 =	veq.s32 v56, $0x0  }
0x7e: {  	v18 =	vsel vm7, v60, v18  }
0x7f: {  	[tilespmem:s25+$0x18B0] =	vst v18;
	v18 =	vsub.s32 v16, v19  }
0x80: {  	v62 =	vld [tilespmem:s25+$0xCC0];
	v61 =	vshll.u32 v18, $0x8;
	v18 =	vshll.u32 v18, $0x7  }
0x81: {  	v17 =	vld.idx.msk [tilespmem:v17+s16+$0x0], $0xffff;
	v21 =	vand.u32 $0x7800, v61;
	v18 =	vand.u32 $0x380, v18  }
0x82: {  	v63 =	vld [tilespmem:s25+$0xE0];
	v18 =	vor.u32 v18, v21  }
0x83: {  	v18 =	vor.u32 v13, v18;
	_ =	sdelay $0x1  }
0x84: {  	vm8 =	veq.s32 v59, $0x0  }
0x85: {  	v17 =	vsel vm8, v62, v17  }
0x86: {  	v25 =	vld [tilespmem:s25+$0xCD0];
	[tilespmem:s25+$0x18C0] =	vst v17;
	v17 =	vsub.s32 v16, v63  }
0x87: {  	v24 =	vshll.u32 v17, $0x8;
	v17 =	vshll.u32 v17, $0x7;
	v18 =	vld.idx.msk [tilespmem:v18+s16+$0x0], $0xffff  }
0x88: {  	v26 =	vld [tilespmem:s25+$0xF0];
	v20 =	vand.u32 $0x7800, v24;
	v17 =	vand.u32 $0x380, v17  }
0x89: {  	v17 =	vor.u32 v17, v20  }
0x8a: {  	v17 =	vor.u32 v14, v17  }
0x8b: {  	vm9 =	veq.s32 v19, $0x0  }
0x8c: {  	v18 =	vsel vm9, v25, v18  }
0x8d: {  	[tilespmem:s25+$0x18D0] =	vst v18;
	v18 =	vsub.s32 v16, v26  }
0x8e: {  	v27 =	vld [tilespmem:s25+$0xCE0];
	v19 =	vshll.u32 v18, $0x8;
	v18 =	vshll.u32 v18, $0x7  }
0x8f: {  	v17 =	vld.idx.msk [tilespmem:v17+s16+$0x0], $0xffff;
	v19 =	vand.u32 $0x7800, v19;
	v18 =	vand.u32 $0x380, v18  }
0x90: {  	v18 =	vor.u32 v18, v19  }
0x91: {  	v18 =	vor.u32 v15, v18;
	_ =	sdelay $0x1  }
0x92: {  	vm10 =	veq.s32 v63, $0x0  }
0x93: {  	v17 =	vsel vm10, v27, v17  }
0x94: {  	[tilespmem:s25+$0x18E0] =	vst v17  }
0x95: {  	v17 =	vld.idx.msk [tilespmem:v18+s16+$0x0], $0xffff  }
0x96: {  	v18 =	vld [tilespmem:s25+$0xCF0];
	_ =	sdelay $0x3  }
0x97: {  	vm11 =	veq.s32 v26, $0x0  }
0x98: {  	p0 =	seq.s32 s23, $0x2800;
	v17 =	vsel vm11, v18, v17  }
0x99: {  	s26 =	simm.s32 @!p0 $0x800;
	s28 =	simm.s32 @!p0 $0x200000;
	s29 =	simm.s32 @!p0 $0x2400;
	[tilespmem:s25+$0x18F0] =	vst v17  }
0x9a: {  	[tilespmem:s29], [sflag:$0x1] =	stream.strided.gather @!p0 [hbm4b:s24+s26], $0x8000, s28, s26, $0x38;
	[tilespmem:$0x12480] =	vst v63  }
0x9b: {  	_ =	swait.ge [sflag:s19], $0x8000  }
0x9c: {  	[sflag:s19] =	ssyncset.done $0x0  }
0x9d: {  	[sflag:s19] =	ssyncadd.s32 $0xFFFF8000  }
0x9e: {  	v17 =	vld [tilespmem:s25+$0x100];
	_ =	sdelay $0x4  }
0x9f: {  	v18 =	vsub.s32 v16, v17  }
0xa0: {  	v19 =	vshll.u32 v18, $0x8;
	v18 =	vshll.u32 v18, $0x7  }
0xa1: {  	v19 =	vand.u32 $0x7800, v19;
	v18 =	vand.u32 $0x380, v18  }
0xa2: {  	v18 =	vor.u32 v19, v18;
	v19 =	vld [tilespmem:s25+$0x110];
	_ =	sdelay $0x1  }
0xa3: {  	v18 =	vor.u32 v0, v18;
	_ =	sdelay $0x2  }
0xa4: {  	v28 =	vsub.s32 v16, v19  }
0xa5: {  	v30 =	vld [tilespmem:s25+$0xD00];
	v29 =	vshll.u32 v28, $0x8;
	v20 =	vshll.u32 v28, $0x7  }
0xa6: {  	v18 =	vld.idx.msk [tilespmem:v18+s17+$0x0], $0xffff;
	v21 =	vand.u32 $0x7800, v29;
	v20 =	vand.u32 $0x380, v20  }
0xa7: {  	v31 =	vld [tilespmem:s25+$0x120];
	v20 =	vor.u32 v21, v20  }
0xa8: {  	v20 =	vor.u32 v1, v20;
	_ =	sdelay $0x1  }
0xa9: {  	vm12 =	veq.s32 v17, $0x0  }
0xaa: {  	v17 =	vsel vm12, v30, v18  }
0xab: {  	v33 =	vld [tilespmem:s25+$0xD10];
	[tilespmem:s25+$0x1900] =	vst v17;
	v17 =	vsub.s32 v16, v31  }
0xac: {  	v32 =	vshll.u32 v17, $0x8;
	v17 =	vshll.u32 v17, $0x7;
	v18 =	vld.idx.msk [tilespmem:v20+s17+$0x0], $0xffff  }
0xad: {  	v34 =	vld [tilespmem:s25+$0x130];
	v20 =	vand.u32 $0x7800, v32;
	v17 =	vand.u32 $0x380, v17  }
0xae: {  	v17 =	vor.u32 v20, v17  }
0xaf: {  	v17 =	vor.u32 v2, v17  }
0xb0: {  	vm13 =	veq.s32 v19, $0x0  }
0xb1: {  	v18 =	vsel vm13, v33, v18  }
0xb2: {  	[tilespmem:s25+$0x1910] =	vst v18;
	v18 =	vsub.s32 v16, v34  }
0xb3: {  	v35 =	vld [tilespmem:s25+$0xD20];
	v19 =	vshll.u32 v18, $0x8;
	v18 =	vshll.u32 v18, $0x7  }
0xb4: {  	v17 =	vld.idx.msk [tilespmem:v17+s17+$0x0], $0xffff;
	v19 =	vand.u32 $0x7800, v19;
	v18 =	vand.u32 $0x380, v18  }
0xb5: {  	v18 =	vor.u32 v19, v18;
	v19 =	vld [tilespmem:s25+$0x140];
	_ =	sdelay $0x1  }
0xb6: {  	v18 =	vor.u32 v3, v18  }
0xb7: {  	vm14 =	veq.s32 v31, $0x0  }
0xb8: {  	v17 =	vsel vm14, v35, v17  }
0xb9: {  	[tilespmem:s25+$0x1920] =	vst v17;
	v17 =	vsub.s32 v16, v19  }
0xba: {  	v37 =	vld [tilespmem:s25+$0xD30];
	v36 =	vshll.u32 v17, $0x8;
	v17 =	vshll.u32 v17, $0x7  }
0xbb: {  	v18 =	vld.idx.msk [tilespmem:v18+s17+$0x0], $0xffff;
	v21 =	vand.u32 $0x7800, v36;
	v17 =	vand.u32 $0x380, v17  }
0xbc: {  	v38 =	vld [tilespmem:s25+$0x150];
	v17 =	vor.u32 v21, v17  }
0xbd: {  	v17 =	vor.u32 v4, v17;
	_ =	sdelay $0x1  }
0xbe: {  	vm15 =	veq.s32 v34, $0x0  }
0xbf: {  	v18 =	vsel vm15, v37, v18  }
0xc0: {  	v40 =	vld [tilespmem:s25+$0xD40];
	[tilespmem:s25+$0x1930] =	vst v18;
	v18 =	vsub.s32 v16, v38  }
0xc1: {  	v39 =	vshll.u32 v18, $0x8;
	v18 =	vshll.u32 v18, $0x7;
	v17 =	vld.idx.msk [tilespmem:v17+s17+$0x0], $0xffff  }
0xc2: {  	v41 =	vld [tilespmem:s25+$0x160];
	v20 =	vand.u32 $0x7800, v39;
	v18 =	vand.u32 $0x380, v18  }
0xc3: {  	v18 =	vor.u32 v20, v18  }
0xc4: {  	v18 =	vor.u32 v5, v18  }
0xc5: {  	vm4 =	veq.s32 v19, $0x0  }
0xc6: {  	v17 =	vsel vm4, v40, v17  }
0xc7: {  	[tilespmem:s25+$0x1940] =	vst v17;
	v17 =	vsub.s32 v16, v41  }
0xc8: {  	v42 =	vld [tilespmem:s25+$0xD50];
	v19 =	vshll.u32 v17, $0x8;
	v17 =	vshll.u32 v17, $0x7  }
0xc9: {  	v18 =	vld.idx.msk [tilespmem:v18+s17+$0x0], $0xffff;
	v19 =	vand.u32 $0x7800, v19;
	v17 =	vand.u32 $0x380, v17  }
0xca: {  	v17 =	vor.u32 v19, v17;
	v19 =	vld [tilespmem:s25+$0x170];
	_ =	sdelay $0x1  }
0xcb: {  	v17 =	vor.u32 v6, v17  }
0xcc: {  	vm5 =	veq.s32 v38, $0x0  }
0xcd: {  	v18 =	vsel vm5, v42, v18  }
0xce: {  	[tilespmem:s25+$0x1950] =	vst v18;
	v18 =	vsub.s32 v16, v19  }
0xcf: {  	v44 =	vld [tilespmem:s25+$0xD60];
	v43 =	vshll.u32 v18, $0x8;
	v18 =	vshll.u32 v18, $0x7  }
0xd0: {  	v17 =	vld.idx.msk [tilespmem:v17+s17+$0x0], $0xffff;
	v21 =	vand.u32 $0x7800, v43;
	v18 =	vand.u32 $0x380, v18  }
0xd1: {  	v45 =	vld [tilespmem:s25+$0x180];
	v18 =	vor.u32 v21, v18  }
0xd2: {  	v18 =	vor.u32 v7, v18;
	_ =	sdelay $0x1  }
0xd3: {  	vm6 =	veq.s32 v41, $0x0  }
0xd4: {  	v17 =	vsel vm6, v44, v17  }
0xd5: {  	v47 =	vld [tilespmem:s25+$0xD70];
	[tilespmem:s25+$0x1960] =	vst v17;
	v17 =	vsub.s32 v16, v45  }
0xd6: {  	v46 =	vshll.u32 v17, $0x8;
	v17 =	vshll.u32 v17, $0x7;
	v18 =	vld.idx.msk [tilespmem:v18+s17+$0x0], $0xffff  }
0xd7: {  	v48 =	vld [tilespmem:s25+$0x190];
	v20 =	vand.u32 $0x7800, v46;
	v17 =	vand.u32 $0x380, v17  }
0xd8: {  	v17 =	vor.u32 v17, v20  }
0xd9: {  	v17 =	vor.u32 v8, v17  }
0xda: {  	vm7 =	veq.s32 v19, $0x0  }
0xdb: {  	v18 =	vsel vm7, v47, v18  }
0xdc: {  	[tilespmem:s25+$0x1970] =	vst v18;
	v18 =	vsub.s32 v16, v48  }
0xdd: {  	v49 =	vld [tilespmem:s25+$0xD80];
	v19 =	vshll.u32 v18, $0x8;
	v18 =	vshll.u32 v18, $0x7  }
0xde: {  	v17 =	vld.idx.msk [tilespmem:v17+s17+$0x0], $0xffff;
	v19 =	vand.u32 $0x7800, v19;
	v18 =	vand.u32 $0x380, v18  }
0xdf: {  	v18 =	vor.u32 v18, v19;
	v19 =	vld [tilespmem:s25+$0x1A0];
	_ =	sdelay $0x1  }
0xe0: {  	v18 =	vor.u32 v9, v18  }
0xe1: {  	vm8 =	veq.s32 v45, $0x0  }
0xe2: {  	v17 =	vsel vm8, v49, v17  }
0xe3: {  	[tilespmem:s25+$0x1980] =	vst v17;
	v17 =	vsub.s32 v16, v19  }
0xe4: {  	v51 =	vld [tilespmem:s25+$0xD90];
	v50 =	vshll.u32 v17, $0x8;
	v17 =	vshll.u32 v17, $0x7  }
0xe5: {  	v18 =	vld.idx.msk [tilespmem:v18+s17+$0x0], $0xffff;
	v21 =	vand.u32 $0x7800, v50;
	v17 =	vand.u32 $0x380, v17  }
0xe6: {  	v52 =	vld [tilespmem:s25+$0x1B0];
	v17 =	vor.u32 v17, v21  }
0xe7: {  	v17 =	vor.u32 v10, v17;
	_ =	sdelay $0x1  }
0xe8: {  	vm9 =	veq.s32 v48, $0x0  }
0xe9: {  	v18 =	vsel vm9, v51, v18  }
0xea: {  	v54 =	vld [tilespmem:s25+$0xDA0];
	[tilespmem:s25+$0x1990] =	vst v18;
	v18 =	vsub.s32 v16, v52  }
0xeb: {  	v53 =	vshll.u32 v18, $0x8;
	v18 =	vshll.u32 v18, $0x7;
	v17 =	vld.idx.msk [tilespmem:v17+s17+$0x0], $0xffff  }
0xec: {  	v55 =	vld [tilespmem:s25+$0x1C0];
	v20 =	vand.u32 $0x7800, v53;
	v18 =	vand.u32 $0x380, v18  }
0xed: {  	v18 =	vor.u32 v18, v20  }
0xee: {  	v18 =	vor.u32 v11, v18  }
0xef: {  	vm10 =	veq.s32 v19, $0x0  }
0xf0: {  	v17 =	vsel vm10, v54, v17  }
0xf1: {  	[tilespmem:s25+$0x19A0] =	vst v17;
	v17 =	vsub.s32 v16, v55  }
0xf2: {  	v56 =	vld [tilespmem:s25+$0xDB0];
	v19 =	vshll.u32 v17, $0x8;
	v17 =	vshll.u32 v17, $0x7  }
0xf3: {  	v18 =	vld.idx.msk [tilespmem:v18+s17+$0x0], $0xffff;
	v19 =	vand.u32 $0x7800, v19;
	v17 =	vand.u32 $0x380, v17  }
0xf4: {  	v17 =	vor.u32 v17, v19;
	v19 =	vld [tilespmem:s25+$0x1D0];
	_ =	sdelay $0x1  }
0xf5: {  	v17 =	vor.u32 v12, v17  }
0xf6: {  	vm11 =	veq.s32 v52, $0x0  }
0xf7: {  	v18 =	vsel vm11, v56, v18  }
0xf8: {  	[tilespmem:s25+$0x19B0] =	vst v18;
	v18 =	vsub.s32 v16, v19  }
0xf9: {  	v58 =	vld [tilespmem:s25+$0xDC0];
	v57 =	vshll.u32 v18, $0x8;
	v18 =	vshll.u32 v18, $0x7  }
0xfa: {  	v17 =	vld.idx.msk [tilespmem:v17+s17+$0x0], $0xffff;
	v21 =	vand.u32 $0x7800, v57;
	v18 =	vand.u32 $0x380, v18  }
0xfb: {  	v59 =	vld [tilespmem:s25+$0x1E0];
	v18 =	vor.u32 v18, v21  }
0xfc: {  	v18 =	vor.u32 v13, v18;
	_ =	sdelay $0x1  }
0xfd: {  	vm12 =	veq.s32 v55, $0x0  }
0xfe: {  	v17 =	vsel vm12, v58, v17  }
0xff: {  	v61 =	vld [tilespmem:s25+$0xDD0];
	[tilespmem:s25+$0x19C0] =	vst v17;
	v17 =	vsub.s32 v16, v59  }
0x100: {  	v60 =	vshll.u32 v17, $0x8;
	v17 =	vshll.u32 v17, $0x7;
	v18 =	vld.idx.msk [tilespmem:v18+s17+$0x0], $0xffff  }
0x101: {  	v62 =	vld [tilespmem:s25+$0x1F0];
	v20 =	vand.u32 $0x7800, v60;
	v17 =	vand.u32 $0x380, v17  }
0x102: {  	v17 =	vor.u32 v17, v20  }
0x103: {  	v17 =	vor.u32 v14, v17  }
0x104: {  	vm13 =	veq.s32 v19, $0x0  }
0x105: {  	v18 =	vsel vm13, v61, v18  }
0x106: {  	[tilespmem:s25+$0x19D0] =	vst v18;
	v18 =	vsub.s32 v16, v62  }
0x107: {  	v63 =	vld [tilespmem:s25+$0xDE0];
	v19 =	vshll.u32 v18, $0x8;
	v18 =	vshll.u32 v18, $0x7  }
0x108: {  	v17 =	vld.idx.msk [tilespmem:v17+s17+$0x0], $0xffff;
	v19 =	vand.u32 $0x7800, v19;
	v18 =	vand.u32 $0x380, v18  }
0x109: {  	v18 =	vor.u32 v18, v19  }
0x10a: {  	v18 =	vor.u32 v15, v18;
	_ =	sdelay $0x1  }
0x10b: {  	vm14 =	veq.s32 v59, $0x0  }
0x10c: {  	v17 =	vsel vm14, v63, v17  }
0x10d: {  	[tilespmem:s25+$0x19E0] =	vst v17  }
0x10e: {  	v17 =	vld.idx.msk [tilespmem:v18+s17+$0x0], $0xffff  }
0x10f: {  	s23 =	sadd.s32 $0x800, s23;
	v18 =	vld [tilespmem:s25+$0xDF0]  }
0x110: {  	p0 =	sne.s32 s23, $0x3000  }
.Ltmp0:
0x111: {  	_ = 	snop;
	(pc) =	sbr.rel @p0 .LBB2_2-.Ltmp0, $4  }
0x112: {  	_ = 	snop  }
0x113: {  	vm15 =	veq.s32 v62, $0x0  }
0x114: {  	v17 =	vsel vm15, v18, v17  }
0x115: {  	s22 =	sadd.s32 $0x200, s22;
	s24 =	sadd.s32 $0x200, s24;
	[tilespmem:s25+$0x19F0] =	vst v17  }
0x116: {  	s21 =	sadd.s32 $0x1, s21  }
0x117: {  	p0 =	sne.s32 s21, s8  }
.Ltmp1:
0x118: {  	_ = 	snop;
	(pc) =	sbr.rel @p0 .LBB2_1-.Ltmp1, $4  }
0x119: {  	[hbm4b:s7+s2] =	stream.linear.scatter [tilespmem:s20], [sflag:$0x3], $0xC00, $0x38;
	[tilespmem:$0x12480] =	vst v63  }
0x11a: {  	_ =	swait.ge [sflag:s11], $0xC00  }
0x11b: {  	[sflag:s11] =	ssyncset.done $0x0  }
0x11c: {  	[sflag:s11] =	ssyncadd.s32 $0xFFFFF400  }
0x11d: {  	_ =	sfence.sel $0x180000  }
0x11e: {  	[bflag:$0x0] =	sbarrier.arrive $0xFFFF  }
0x11f: {  	p0 =	sne.s32 s1, $0x0;
	_ =	strace $0x90000047  }
0x120: {  	s0 =	sadd.s32 @!p0 $0x100000, s0;
	[bflag:$0x2] =	sbarrier.arrive $0xFFFF  }
0x121: {  	[sflag:s0] =	ssyncadd.tile.s32 @!p0 $0x1;
	_ =	shalt  }
.Lfunc_end2:
_tile_overlayer_lowered:
.L_overlay_start_2:
0x122: {  	(tag) =	ssettag $0x2  }
0x123: {  	s0 =	rddreg [dreg:$0x0];
	s2 =	stileid.u32  }
0x124: {  	s1 =	rddreg [dreg:$0x1];
	p0 =	sne.s32 s2, $0x0  }
0x125: {  	s3 =	rddreg [dreg:$0x2];
	[bflag:$0x3] =	sbarrier.arrive $0xFFFF;
	s2 =	simm.s32 @!p0 $0x1C03  }
0x126: {  	[timem:s3], [sflag:s2] =	dma.local @!p0 [hbm:s0], s1  }
0x127: {  	s0 =	simm.s32 @!p0 $0x3  }
0x128: {  	_ =	swait.ge @!p0 [sflag:s0], s1  }
0x129: {  	s1 =	ssub.s32 @!p0 $0x0, s1;
	[sflag:s0] =	ssyncset.done @!p0 $0x0  }
0x12a: {  	[sflag:s0] =	ssyncadd.s32 @!p0 s1  }
0x12b: {  	[bflag:$0x3] =	sbarrier.arrive $0xFFFF  }
0x12c: {  	_ =	shalt  }

</sc_bundles>
